<compile_context>
chip_gen: v7x
topology: tpu7x:2x2x1
jax: 0.10.2.dev20260603
libtpu: 0.0.44.dev20260713+nightly
codegen_flags: <defaults>
</compile_context>

<pallas_src>
import functools

import jax
import jax.numpy as jnp
from jax import lax
from jax.experimental import pallas as pl
from jax.experimental.pallas import tpu as pltpu
from jax.experimental.pallas import tpu_sc as plsc

N0 = 10000
NP = 10240
D = 128
K = 8
BQ = 256
NSUB = NP // 128
TL = 3

SC_NC = 2
SC_NS = 16
SC_NW = SC_NC * SC_NS
GATHER_CHUNK = 512


def _knn_proj_body(x_ref, c4_ref, c3t_ref, w1a_ref, w1b_ref, w1c_ref, b1_ref,
                   idx_ref, qv_ref, kv_ref):
    c4 = c4_ref[...]
    c3t = c3t_ref[...]
    lane8 = lax.broadcasted_iota(jnp.int32, (BQ, 8), 1)
    c3q = jnp.where(lane8 < 3, c4, 0.0)
    sq_q = jnp.sum(c3q * c3q, axis=1, keepdims=True)
    sq_k = jnp.sum(c3t * c3t, axis=0, keepdims=True)
    col1 = lax.broadcasted_iota(jnp.int32, (1, NP), 1)
    sq_k = jnp.where(col1 < N0, sq_k, 1e30)
    qaug = jnp.where(lane8 < 3, -2.0 * c3q,
                     jnp.where(lane8 == 3, sq_q, 0.0))
    r8 = lax.broadcasted_iota(jnp.int32, (8, NP), 0)
    kaug = jnp.where(r8 < 3, c3t, jnp.where(r8 == 3, 1.0, 0.0))
    d2 = (jnp.dot(qaug, kaug, preferred_element_type=jnp.float32)
          + sq_k)

    lane = lax.broadcasted_iota(jnp.int32, (BQ, 128), 1)
    mk = [jnp.full((BQ, 128), jnp.inf, jnp.float32) for _ in range(TL)]
    for s in range(NSUB):
        tv = jnp.maximum(d2[:, s * 128:(s + 1) * 128], 1e-30)
        t = lax.bitcast_convert_type(
            (lax.bitcast_convert_type(tv, jnp.int32)
             & jnp.int32(~0x7F)) | jnp.int32(s), jnp.float32)
        for i in range(TL):
            mk[i], t = jnp.minimum(t, mk[i]), jnp.maximum(t, mk[i])
    ck = jnp.concatenate(mk, axis=1)
    cc = jnp.concatenate(
        [(lax.bitcast_convert_type(k, jnp.int32) & jnp.int32(0x7F)) * 128
         + lane for k in mk], axis=1)
    idx_cols = []
    for _ in range(K):
        m = jnp.min(ck, axis=1, keepdims=True)
        sel = jnp.min(jnp.where(ck == m, cc, NP), axis=1, keepdims=True)
        idx_cols.append(sel)
        ck = jnp.where((ck == m) & (cc == sel), jnp.inf, ck)
    idx_ref[...] = jnp.concatenate(idx_cols, axis=1)

    x = x_ref[...]
    c_w1c = jnp.dot(c4, w1c_ref[...], preferred_element_type=jnp.float32)
    qv_ref[...] = (jnp.dot(x, w1a_ref[...], preferred_element_type=jnp.float32)
                   - c_w1c + b1_ref[...])
    kv_ref[...] = (jnp.dot(x, w1b_ref[...], preferred_element_type=jnp.float32)
                   + c_w1c)


def _knn_proj(xp, c4p, c3t, w1a, w1b, w1c, b1):
    return pl.pallas_call(
        _knn_proj_body,
        grid=(NP // BQ,),
        in_specs=[
            pl.BlockSpec((BQ, D), lambda i: (i, 0)),
            pl.BlockSpec((BQ, 8), lambda i: (i, 0)),
            pl.BlockSpec((8, NP), lambda i: (0, 0)),
            pl.BlockSpec((D, D), lambda i: (0, 0)),
            pl.BlockSpec((D, D), lambda i: (0, 0)),
            pl.BlockSpec((8, D), lambda i: (0, 0)),
            pl.BlockSpec((1, D), lambda i: (0, 0)),
        ],
        out_specs=[
            pl.BlockSpec((BQ, K), lambda i: (i, 0)),
            pl.BlockSpec((BQ, D), lambda i: (i, 0)),
            pl.BlockSpec((BQ, D), lambda i: (i, 0)),
        ],
        out_shape=[
            jax.ShapeDtypeStruct((NP, K), jnp.int32),
            jax.ShapeDtypeStruct((NP, D), jnp.float32),
            jax.ShapeDtypeStruct((NP, D), jnp.float32),
        ],
        compiler_params=pltpu.CompilerParams(
            dimension_semantics=("parallel",)),
    )(xp, c4p, c3t, w1a, w1b, w1c, b1)


def _sc_gather(table, idx_flat):
    b_total = idx_flat.shape[0]
    b_per_w = b_total // SC_NW
    mesh = plsc.VectorSubcoreMesh(core_axis_name="c", subcore_axis_name="s")

    @functools.partial(
        pl.kernel, mesh=mesh,
        out_type=jax.ShapeDtypeStruct((b_total, D), jnp.float32),
        scratch_types=[
            pltpu.VMEM((GATHER_CHUNK,), jnp.int32),
            pltpu.VMEM((GATHER_CHUNK, D), jnp.float32),
            pltpu.SemaphoreType.DMA,
        ],
    )
    def k(table_hbm, idx_hbm, out_hbm, idx_v, rows_v, sem):
        wid = lax.axis_index("s") * SC_NC + lax.axis_index("c")
        base = wid * b_per_w

        @pl.loop(0, b_per_w, step=GATHER_CHUNK)
        def _(off):
            pltpu.sync_copy(idx_hbm.at[pl.ds(base + off, GATHER_CHUNK)], idx_v)
            pltpu.async_copy(table_hbm.at[idx_v], rows_v, sem).wait()
            pltpu.sync_copy(rows_v, out_hbm.at[pl.ds(base + off, GATHER_CHUNK)])

    return k(table, idx_flat)


def _msg_update_body(qv_ref, g_ref, x_ref, wm2_ref, bm2_ref, wu1a_ref,
                     wu1b_ref, bu1_ref, wu2_ref, bu2_ref, o_ref):
    q3 = qv_ref[...].reshape(BQ, 1, D)
    g3 = g_ref[...].reshape(BQ, K, D)
    h = jnp.maximum(q3 + g3, 0.0).reshape(BQ * K, D)
    msg = (jnp.dot(h, wm2_ref[...], preferred_element_type=jnp.float32)
           + bm2_ref[...])
    aggr = jnp.max(msg.reshape(BQ, K, D), axis=1)
    t = jnp.maximum(
        jnp.dot(x_ref[...], wu1a_ref[...], preferred_element_type=jnp.float32)
        + jnp.dot(aggr, wu1b_ref[...], preferred_element_type=jnp.float32)
        + bu1_ref[...], 0.0)
    o_ref[...] = (jnp.dot(t, wu2_ref[...], preferred_element_type=jnp.float32)
                  + bu2_ref[...])


def _msg_update(qv, g, xp, wm2, bm2, wu1a, wu1b, bu1, wu2, bu2):
    return pl.pallas_call(
        _msg_update_body,
        grid=(NP // BQ,),
        in_specs=[
            pl.BlockSpec((BQ, D), lambda i: (i, 0)),
            pl.BlockSpec((BQ * K, D), lambda i: (i, 0)),
            pl.BlockSpec((BQ, D), lambda i: (i, 0)),
            pl.BlockSpec((D, D), lambda i: (0, 0)),
            pl.BlockSpec((1, D), lambda i: (0, 0)),
            pl.BlockSpec((D, D), lambda i: (0, 0)),
            pl.BlockSpec((D, D), lambda i: (0, 0)),
            pl.BlockSpec((1, D), lambda i: (0, 0)),
            pl.BlockSpec((D, D), lambda i: (0, 0)),
            pl.BlockSpec((1, D), lambda i: (0, 0)),
        ],
        out_specs=pl.BlockSpec((BQ, D), lambda i: (i, 0)),
        out_shape=jax.ShapeDtypeStruct((NP, D), jnp.float32),
        compiler_params=pltpu.CompilerParams(
            dimension_semantics=("parallel",)),
    )(qv, g, xp, wm2, bm2, wu1a, wu1b, bu1, wu2, bu2)


def kernel(x, coords, W_m1, b_m1, W_m2, b_m2, W_u1, b_u1, W_u2, b_u2):
    xp = jnp.pad(x, ((0, NP - N0), (0, 0)))
    c4p = jnp.pad(coords, ((0, NP - N0), (0, 8 - coords.shape[1])))
    c3t = jnp.pad(coords[:, :3].T, ((0, 5), (0, NP - N0)))
    w1a = W_m1[:D]
    w1b = W_m1[D:2 * D]
    w1c = jnp.pad(W_m1[2 * D:], ((0, 4), (0, 0)))
    b1 = b_m1.reshape(1, D)

    idx, qv, kv = _knn_proj(xp, c4p, c3t, w1a, w1b, w1c, b1)
    g = _sc_gather(kv, idx.reshape(NP * K))
    out = _msg_update(qv, g, xp, W_m2, b_m2.reshape(1, D),
                      W_u1[:D], W_u1[D:], b_u1.reshape(1, D),
                      W_u2, b_u2.reshape(1, D))
    return out[:N0]

# --- scband reference (transcript-rebuilt; emitter-appended) ---
"""Pipeline reference for scband-point-gnnlayer-23983097381128 (READ-ONLY COPY).

The authoritative reference and input builder live on the scoring server;
editing this copy changes nothing except your own understanding.
"""

import jax, jax.numpy as jnp
import numpy as np

N = 10000
DIN = 128
DOUT = 128
K = 8


def _pairwise_dist(c):
    # Euclidean cdist, matches torch.cdist(c, c)
    sq = jnp.sum(c * c, axis=1)
    d2 = sq[:, None] + sq[None, :] - 2.0 * (c @ c.T)
    return jnp.sqrt(jnp.clip(d2, 0.0, None))


def setup_inputs(seed: int = 0) -> dict:
    key = jax.random.key(seed)
    ks = jax.random.split(key, 12)
    s = 0.05
    x = jax.random.normal(ks[0], (N, DIN), dtype=jnp.float32)
    coords = jax.random.normal(ks[1], (N, 4), dtype=jnp.float32)
    W_m1 = jax.random.normal(ks[2], (2 * DIN + 4, DOUT), dtype=jnp.float32) * s
    b_m1 = jax.random.normal(ks[3], (DOUT,), dtype=jnp.float32) * s
    W_m2 = jax.random.normal(ks[4], (DOUT, DOUT), dtype=jnp.float32) * s
    b_m2 = jax.random.normal(ks[5], (DOUT,), dtype=jnp.float32) * s
    W_u1 = jax.random.normal(ks[6], (DIN + DOUT, DOUT), dtype=jnp.float32) * s
    b_u1 = jax.random.normal(ks[7], (DOUT,), dtype=jnp.float32) * s
    W_u2 = jax.random.normal(ks[8], (DOUT, DOUT), dtype=jnp.float32) * s
    b_u2 = jax.random.normal(ks[9], (DOUT,), dtype=jnp.float32) * s
    return {"x": x, "coords": coords, "W_m1": W_m1, "b_m1": b_m1, "W_m2": W_m2, "b_m2": b_m2, "W_u1": W_u1, "b_u1": b_u1, "W_u2": W_u2, "b_u2": b_u2}


def reference(x, coords, W_m1, b_m1, W_m2, b_m2, W_u1, b_u1, W_u2, b_u2):
    n = x.shape[0]
    dist = _pairwise_dist(coords[:, :3])
    # topk smallest distances (includes self at dist 0), like torch.topk(largest=False)
    _, indices = jax.lax.top_k(-dist, K)  # (N, K)
    neigh_x = x[indices]                  # (N, K, DIN) gather
    neigh_coords = coords[indices]        # (N, K, 4) gather
    rel_coords = neigh_coords - coords[:, None, :]
    self_x_rep = jnp.broadcast_to(x[:, None, :], (n, K, x.shape[1]))
    msg_input = jnp.concatenate([self_x_rep, neigh_x, rel_coords], axis=-1)
    h = jax.nn.relu(msg_input @ W_m1 + b_m1)
    messages = h @ W_m2 + b_m2
    aggr = jnp.max(messages, axis=1)
    u_in = jnp.concatenate([x, aggr], axis=-1)
    updated = jax.nn.relu(u_in @ W_u1 + b_u1) @ W_u2 + b_u2
    return updated

if __name__ == "__main__":
    import jax
    _d = setup_inputs()
    print(jax.jit(kernel)(*tuple(_d.values())))

</pallas_src>

<mosaic_0001>
#map = affine_map<(d0, d1) -> (0, 0)>
#map1 = affine_map<(d0, d1) -> (0)>
module attributes {stable_mosaic.version = 14 : i64} {
  func.func @k(%arg0: i32, %arg1: i32, %arg2: memref<10240x128xf32, #tpu.memory_space<hbm>>, %arg3: memref<81920xi32, #tpu.memory_space<hbm>>, %arg4: memref<81920x128xf32, #tpu.memory_space<hbm>>, %arg5: memref<512xi32, #tpu.memory_space<vmem>>, %arg6: memref<512x128xf32, #tpu.memory_space<vmem>>, %arg7: memref<!tpu.dma_semaphore, #tpu.memory_space<semaphore_mem>>) attributes {dimension_semantics = [#tpu.dimension_semantics<core_parallel>, #tpu.dimension_semantics<subcore_parallel>], iteration_bounds = array<i64: 2, 16>, scalar_prefetch = 0 : i64, scratch_operands = 3 : i64, tpu.core_type = #tpu.core_type<sc_vector_subcore>, window_params = [{transform_indices = #map}, {transform_indices = #map1}, {transform_indices = #map}]} {
    %mul3A = arith.constant 2 : i32
    %mul3A_0 = arith.muli %arg1, %mul3A : i32
    %add3A = arith.addi %mul3A_0, %arg0 : i32
    %mul3A_1 = arith.constant 2560 : i32
    %mul3A_2 = arith.muli %add3A, %mul3A_1 : i32
    %scan3A = arith.constant 0 : i32
    %scan3A_3 = arith.constant 5 : i32
    %scan3A_4 = arith.addi %scan3A, %scan3A_3 : i32
    %scan3A_5 = arith.constant 1 : i32
    scf.for %scan3A_7 = %scan3A to %scan3A_4 step %scan3A_5  : i32 {
      %mul3A_8 = arith.constant 512 : i32
      %mul3A_9 = arith.muli %scan3A_7, %mul3A_8 : i32
      %add3A_10 = arith.constant 0 : i32
      %add3A_11 = arith.addi %add3A_10, %mul3A_9 : i32
      %add3A_12 = arith.addi %mul3A_2, %add3A_11 : i32
      "tpu.region"() ({
        %run_scoped3A = tpu.sem_alloc : memref<!tpu.dma_semaphore, #tpu.memory_space<semaphore_mem>>
        %dma_start3A_18 = tpu.memref_slice %arg3[%add3A_12] : memref<81920xi32, #tpu.memory_space<hbm>> -> memref<512xi32, #tpu.memory_space<hbm>>
        %dma_start3A_19 = tpu.memref_slice %arg3[%add3A_12] : memref<81920xi32, #tpu.memory_space<hbm>> -> memref<512xi32, #tpu.memory_space<hbm>>
        tpu.enqueue_dma source(%dma_start3A_19 : memref<512xi32, #tpu.memory_space<hbm>>) target(%arg5 : memref<512xi32, #tpu.memory_space<vmem>>) target_semaphore(%run_scoped3A : memref<!tpu.dma_semaphore, #tpu.memory_space<semaphore_mem>>)
        %dma_wait3A_20 = tpu.memref_slice %arg3[%add3A_12] : memref<81920xi32, #tpu.memory_space<hbm>> -> memref<512xi32, #tpu.memory_space<hbm>>
        %dma_wait3A_21 = tpu.memref_slice %arg3[%add3A_12] : memref<81920xi32, #tpu.memory_space<hbm>> -> memref<512xi32, #tpu.memory_space<hbm>>
        tpu.wait_dma2 semaphore(%run_scoped3A : memref<!tpu.dma_semaphore, #tpu.memory_space<semaphore_mem>>) src(%dma_wait3A_21 : memref<512xi32, #tpu.memory_space<hbm>>) dst(%arg5 : memref<512xi32, #tpu.memory_space<vmem>>)
        tpu.yield
      }) : () -> ()
      %dma_start3A = arith.constant 0 : i32
      %dma_start3A_13 = arith.constant 0 : i32
      %dma_start3A_14 = tpu.memref_slice %arg2[%dma_start3A, %dma_start3A_13] : memref<10240x128xf32, #tpu.memory_space<hbm>> -> memref<10240x128xf32, #tpu.memory_space<hbm>>
      tpu.enqueue_indirect_dma source(%dma_start3A_14 : memref<10240x128xf32, #tpu.memory_space<hbm>>) target(%arg6 : memref<512x128xf32, #tpu.memory_space<vmem>>) offsets(%arg5 : memref<512xi32, #tpu.memory_space<vmem>>) semaphore(%arg7 : memref<!tpu.dma_semaphore, #tpu.memory_space<semaphore_mem>>)
      %dma_wait3A = arith.constant 0 : i32
      %dma_wait3A_15 = arith.constant 0 : i32
      %dma_wait3A_16 = tpu.memref_slice %arg2[%dma_wait3A, %dma_wait3A_15] : memref<10240x128xf32, #tpu.memory_space<hbm>> -> memref<10240x128xf32, #tpu.memory_space<hbm>>
      tpu.wait_indirect_dma semaphore(%arg7 : memref<!tpu.dma_semaphore, #tpu.memory_space<semaphore_mem>>) src(%dma_wait3A_16 : memref<10240x128xf32, #tpu.memory_space<hbm>>) dst(%arg6 : memref<512x128xf32, #tpu.memory_space<vmem>>)
      %add3A_17 = arith.addi %mul3A_2, %add3A_11 : i32
      "tpu.region"() ({
        %run_scoped3A = tpu.sem_alloc : memref<!tpu.dma_semaphore, #tpu.memory_space<semaphore_mem>>
        %dma_start3A_18 = arith.constant 0 : i32
        %dma_start3A_19 = tpu.memref_slice %arg4[%add3A_17, %dma_start3A_18] : memref<81920x128xf32, #tpu.memory_space<hbm>> -> memref<512x128xf32, #tpu.memory_space<hbm>>
        %dma_start3A_20 = arith.constant 0 : i32
        %dma_start3A_21 = tpu.memref_slice %arg4[%add3A_17, %dma_start3A_20] : memref<81920x128xf32, #tpu.memory_space<hbm>> -> memref<512x128xf32, #tpu.memory_space<hbm>>
        tpu.enqueue_dma source(%arg6 : memref<512x128xf32, #tpu.memory_space<vmem>>) target(%dma_start3A_21 : memref<512x128xf32, #tpu.memory_space<hbm>>) target_semaphore(%run_scoped3A : memref<!tpu.dma_semaphore, #tpu.memory_space<semaphore_mem>>)
        %dma_wait3A_22 = arith.constant 0 : i32
        %dma_wait3A_23 = tpu.memref_slice %arg4[%add3A_17, %dma_wait3A_22] : memref<81920x128xf32, #tpu.memory_space<hbm>> -> memref<512x128xf32, #tpu.memory_space<hbm>>
        %dma_wait3A_24 = arith.constant 0 : i32
        %dma_wait3A_25 = tpu.memref_slice %arg4[%add3A_17, %dma_wait3A_24] : memref<81920x128xf32, #tpu.memory_space<hbm>> -> memref<512x128xf32, #tpu.memory_space<hbm>>
        tpu.wait_dma2 semaphore(%run_scoped3A : memref<!tpu.dma_semaphore, #tpu.memory_space<semaphore_mem>>) src(%arg6 : memref<512x128xf32, #tpu.memory_space<vmem>>) dst(%dma_wait3A_25 : memref<512x128xf32, #tpu.memory_space<hbm>>)
        tpu.yield
      }) : () -> ()
    }
    %scan3A_6 = arith.constant 5 : i32
    return
  }
}

module attributes {stable_mosaic.version = 14 : i64} {
  func.func @_msg_update_body(%arg0: i32, %arg1: memref<256x128xf32, #tpu.memory_space<vmem>>, %arg2: memref<2048x128xf32, #tpu.memory_space<vmem>>, %arg3: memref<256x128xf32, #tpu.memory_space<vmem>>, %arg4: memref<128x128xf32, #tpu.memory_space<vmem>>, %arg5: memref<1x128xf32, #tpu.memory_space<vmem>>, %arg6: memref<128x128xf32, #tpu.memory_space<vmem>>, %arg7: memref<128x128xf32, #tpu.memory_space<vmem>>, %arg8: memref<1x128xf32, #tpu.memory_space<vmem>>, %arg9: memref<128x128xf32, #tpu.memory_space<vmem>>, %arg10: memref<1x128xf32, #tpu.memory_space<vmem>>, %arg11: memref<256x128xf32, #tpu.memory_space<vmem>>) attributes {dimension_semantics = [#tpu.dimension_semantics<parallel>], iteration_bounds = array<i64: 40>, scalar_prefetch = 0 : i64, scratch_operands = 0 : i64, tpu.core_type = #tpu.core_type<tc>, window_params = [{transform_indices = @transform_0, window_bounds = array<i64: 256, 128>}, {transform_indices = @transform_1, window_bounds = array<i64: 2048, 128>}, {transform_indices = @transform_2, window_bounds = array<i64: 256, 128>}, {pipeline_mode = #tpu.pipeline_mode<synchronous>, transform_indices = @transform_3, window_bounds = array<i64: 128, 128>}, {pipeline_mode = #tpu.pipeline_mode<synchronous>, transform_indices = @transform_4, window_bounds = array<i64: 1, 128>}, {pipeline_mode = #tpu.pipeline_mode<synchronous>, transform_indices = @transform_5, window_bounds = array<i64: 128, 128>}, {pipeline_mode = #tpu.pipeline_mode<synchronous>, transform_indices = @transform_6, window_bounds = array<i64: 128, 128>}, {pipeline_mode = #tpu.pipeline_mode<synchronous>, transform_indices = @transform_7, window_bounds = array<i64: 1, 128>}, {pipeline_mode = #tpu.pipeline_mode<synchronous>, transform_indices = @transform_8, window_bounds = array<i64: 128, 128>}, {pipeline_mode = #tpu.pipeline_mode<synchronous>, transform_indices = @transform_9, window_bounds = array<i64: 1, 128>}, {transform_indices = @transform_10, window_bounds = array<i64: 256, 128>}]} {
    %get3A = arith.constant 0 : index
    %get3A_0 = arith.constant 0 : index
    %get3A_1 = vector.load %arg1[%get3A, %get3A_0] : memref<256x128xf32, #tpu.memory_space<vmem>>, vector<256x128xf32>
    %reshape3A = vector.shape_cast %get3A_1 : vector<256x128xf32> to vector<256x1x128xf32>
    %get3A_2 = arith.constant 0 : index
    %get3A_3 = arith.constant 0 : index
    %get3A_4 = vector.load %arg2[%get3A_2, %get3A_3] : memref<2048x128xf32, #tpu.memory_space<vmem>>, vector<2048x128xf32>
    %reshape3A_5 = vector.shape_cast %get3A_4 : vector<2048x128xf32> to vector<256x8x128xf32>
    %add3A = vector.broadcast %reshape3A : vector<256x1x128xf32> to vector<256x8x128xf32>
    %add3A_6 = arith.addf %add3A, %reshape3A_5 : vector<256x8x128xf32>
    %max3A = arith.constant 0.000000e+00 : f32
    %max3A_7 = vector.broadcast %max3A : f32 to vector<256x8x128xf32>
    %max3A_8 = arith.maximumf %add3A_6, %max3A_7 : vector<256x8x128xf32>
    %reshape3A_9 = vector.shape_cast %max3A_8 : vector<256x8x128xf32> to vector<2048x128xf32>
    %get3A_10 = arith.constant 0 : index
    %get3A_11 = arith.constant 0 : index
    %get3A_12 = vector.load %arg4[%get3A_10, %get3A_11] : memref<128x128xf32, #tpu.memory_space<vmem>>, vector<128x128xf32>
    %dot_general3A = arith.constant dense<0.000000e+00> : vector<2048x128xf32>
    %dot_general3A_13 = tpu.matmul %reshape3A_9, %get3A_12, %dot_general3A {dimension_numbers = #tpu.dot_dimension_numbers<[1], [0], [0], [1], [0, 0, 1, 1], [], []>, transpose_lhs_hint = false} : vector<2048x128xf32>, vector<128x128xf32>, vector<2048x128xf32> -> vector<2048x128xf32>
    %get3A_14 = arith.constant 0 : index
    %get3A_15 = arith.constant 0 : index
    %get3A_16 = vector.load %arg5[%get3A_14, %get3A_15] : memref<1x128xf32, #tpu.memory_space<vmem>>, vector<1x128xf32>
    %add3A_17 = vector.broadcast %get3A_16 : vector<1x128xf32> to vector<2048x128xf32>
    %add3A_18 = arith.addf %dot_general3A_13, %add3A_17 : vector<2048x128xf32>
    %reshape3A_19 = vector.shape_cast %add3A_18 : vector<2048x128xf32> to vector<256x8x128xf32>
    %reduce_max3A = arith.constant dense<0xFF800000> : vector<256x128xf32>
    %reduce_max3A_20 = vector.multi_reduction <maximumf>, %reshape3A_19, %reduce_max3A [1] : vector<256x8x128xf32> to vector<256x128xf32>
    %get3A_21 = arith.constant 0 : index
    %get3A_22 = arith.constant 0 : index
    %get3A_23 = vector.load %arg3[%get3A_21, %get3A_22] : memref<256x128xf32, #tpu.memory_space<vmem>>, vector<256x128xf32>
    %get3A_24 = arith.constant 0 : index
    %get3A_25 = arith.constant 0 : index
    %get3A_26 = vector.load %arg6[%get3A_24, %get3A_25] : memref<128x128xf32, #tpu.memory_space<vmem>>, vector<128x128xf32>
    %dot_general3A_27 = arith.constant dense<0.000000e+00> : vector<256x128xf32>
    %dot_general3A_28 = tpu.matmul %get3A_23, %get3A_26, %dot_general3A_27 {dimension_numbers = #tpu.dot_dimension_numbers<[1], [0], [0], [1], [0, 0, 1, 1], [], []>, transpose_lhs_hint = false} : vector<256x128xf32>, vector<128x128xf32>, vector<256x128xf32> -> vector<256x128xf32>
    %get3A_29 = arith.constant 0 : index
    %get3A_30 = arith.constant 0 : index
    %get3A_31 = vector.load %arg7[%get3A_29, %get3A_30] : memref<128x128xf32, #tpu.memory_space<vmem>>, vector<128x128xf32>
    %dot_general3A_32 = arith.constant dense<0.000000e+00> : vector<256x128xf32>
    %dot_general3A_33 = tpu.matmul %reduce_max3A_20, %get3A_31, %dot_general3A_32 {dimension_numbers = #tpu.dot_dimension_numbers<[1], [0], [0], [1], [0, 0, 1, 1], [], []>, transpose_lhs_hint = false} : vector<256x128xf32>, vector<128x128xf32>, vector<256x128xf32> -> vector<256x128xf32>
    %add3A_34 = arith.addf %dot_general3A_28, %dot_general3A_33 : vector<256x128xf32>
    %get3A_35 = arith.constant 0 : index
    %get3A_36 = arith.constant 0 : index
    %get3A_37 = vector.load %arg8[%get3A_35, %get3A_36] : memref<1x128xf32, #tpu.memory_space<vmem>>, vector<1x128xf32>
    %add3A_38 = vector.broadcast %get3A_37 : vector<1x128xf32> to vector<256x128xf32>
    %add3A_39 = arith.addf %add3A_34, %add3A_38 : vector<256x128xf32>
    %max3A_40 = arith.constant 0.000000e+00 : f32
    %max3A_41 = vector.broadcast %max3A_40 : f32 to vector<256x128xf32>
    %max3A_42 = arith.maximumf %add3A_39, %max3A_41 : vector<256x128xf32>
    %get3A_43 = arith.constant 0 : index
    %get3A_44 = arith.constant 0 : index
    %get3A_45 = vector.load %arg9[%get3A_43, %get3A_44] : memref<128x128xf32, #tpu.memory_space<vmem>>, vector<128x128xf32>
    %dot_general3A_46 = arith.constant dense<0.000000e+00> : vector<256x128xf32>
    %dot_general3A_47 = tpu.matmul %max3A_42, %get3A_45, %dot_general3A_46 {dimension_numbers = #tpu.dot_dimension_numbers<[1], [0], [0], [1], [0, 0, 1, 1], [], []>, transpose_lhs_hint = false} : vector<256x128xf32>, vector<128x128xf32>, vector<256x128xf32> -> vector<256x128xf32>
    %get3A_48 = arith.constant 0 : index
    %get3A_49 = arith.constant 0 : index
    %get3A_50 = vector.load %arg10[%get3A_48, %get3A_49] : memref<1x128xf32, #tpu.memory_space<vmem>>, vector<1x128xf32>
    %add3A_51 = vector.broadcast %get3A_50 : vector<1x128xf32> to vector<256x128xf32>
    %add3A_52 = arith.addf %dot_general3A_47, %add3A_51 : vector<256x128xf32>
    %swap3A = arith.constant 0 : index
    %swap3A_53 = arith.constant 0 : index
    %swap3A_54 = vector.load %arg11[%swap3A, %swap3A_53] : memref<256x128xf32, #tpu.memory_space<vmem>>, vector<256x128xf32>
    tpu.vector_store %arg11[%swap3A, %swap3A_53], %add3A_52 {strides = array<i32>} : memref<256x128xf32, #tpu.memory_space<vmem>>, vector<256x128xf32>,
    return
  }
  func.func @transform_0(%arg0: i32) -> (i32, i32) {
    %c0_i32 = arith.constant 0 : i32
    %c0_i32_0 = arith.constant 0 : i32
    return %arg0, %c0_i32 : i32, i32
  }
  func.func @transform_1(%arg0: i32) -> (i32, i32) {
    %c0_i32 = arith.constant 0 : i32
    %c0_i32_0 = arith.constant 0 : i32
    return %arg0, %c0_i32 : i32, i32
  }
  func.func @transform_2(%arg0: i32) -> (i32, i32) {
    %c0_i32 = arith.constant 0 : i32
    %c0_i32_0 = arith.constant 0 : i32
    return %arg0, %c0_i32 : i32, i32
  }
  func.func @transform_3(%arg0: i32) -> (i32, i32) {
    %c0_i32 = arith.constant 0 : i32
    %c0_i32_0 = arith.constant 0 : i32
    %c0_i32_1 = arith.constant 0 : i32
    return %c0_i32, %c0_i32_0 : i32, i32
  }
  func.func @transform_4(%arg0: i32) -> (i32, i32) {
    %c0_i32 = arith.constant 0 : i32
    %c0_i32_0 = arith.constant 0 : i32
    %c0_i32_1 = arith.constant 0 : i32
    return %c0_i32, %c0_i32_0 : i32, i32
  }
  func.func @transform_5(%arg0: i32) -> (i32, i32) {
    %c0_i32 = arith.constant 0 : i32
    %c0_i32_0 = arith.constant 0 : i32
    %c0_i32_1 = arith.constant 0 : i32
    return %c0_i32, %c0_i32_0 : i32, i32
  }
  func.func @transform_6(%arg0: i32) -> (i32, i32) {
    %c0_i32 = arith.constant 0 : i32
    %c0_i32_0 = arith.constant 0 : i32
    %c0_i32_1 = arith.constant 0 : i32
    return %c0_i32, %c0_i32_0 : i32, i32
  }
  func.func @transform_7(%arg0: i32) -> (i32, i32) {
    %c0_i32 = arith.constant 0 : i32
    %c0_i32_0 = arith.constant 0 : i32
    %c0_i32_1 = arith.constant 0 : i32
    return %c0_i32, %c0_i32_0 : i32, i32
  }
  func.func @transform_8(%arg0: i32) -> (i32, i32) {
    %c0_i32 = arith.constant 0 : i32
    %c0_i32_0 = arith.constant 0 : i32
    %c0_i32_1 = arith.constant 0 : i32
    return %c0_i32, %c0_i32_0 : i32, i32
  }
  func.func @transform_9(%arg0: i32) -> (i32, i32) {
    %c0_i32 = arith.constant 0 : i32
    %c0_i32_0 = arith.constant 0 : i32
    %c0_i32_1 = arith.constant 0 : i32
    return %c0_i32, %c0_i32_0 : i32, i32
  }
  func.func @transform_10(%arg0: i32) -> (i32, i32) {
    %c0_i32 = arith.constant 0 : i32
    %c0_i32_0 = arith.constant 0 : i32
    return %arg0, %c0_i32 : i32, i32
  }
}

module attributes {stable_mosaic.version = 14 : i64} {
  func.func @_knn_proj_body(%arg0: i32, %arg1: memref<256x128xf32, #tpu.memory_space<vmem>>, %arg2: memref<256x8xf32, #tpu.memory_space<vmem>>, %arg3: memref<8x10240xf32, #tpu.memory_space<vmem>>, %arg4: memref<128x128xf32, #tpu.memory_space<vmem>>, %arg5: memref<128x128xf32, #tpu.memory_space<vmem>>, %arg6: memref<8x128xf32, #tpu.memory_space<vmem>>, %arg7: memref<1x128xf32, #tpu.memory_space<vmem>>, %arg8: memref<256x8xi32, #tpu.memory_space<vmem>>, %arg9: memref<256x128xf32, #tpu.memory_space<vmem>>, %arg10: memref<256x128xf32, #tpu.memory_space<vmem>>) attributes {dimension_semantics = [#tpu.dimension_semantics<parallel>], iteration_bounds = array<i64: 40>, scalar_prefetch = 0 : i64, scratch_operands = 0 : i64, tpu.core_type = #tpu.core_type<tc>, window_params = [{transform_indices = @transform_0, window_bounds = array<i64: 256, 128>}, {transform_indices = @transform_1, window_bounds = array<i64: 256, 8>}, {pipeline_mode = #tpu.pipeline_mode<synchronous>, transform_indices = @transform_2, window_bounds = array<i64: 8, 10240>}, {pipeline_mode = #tpu.pipeline_mode<synchronous>, transform_indices = @transform_3, window_bounds = array<i64: 128, 128>}, {pipeline_mode = #tpu.pipeline_mode<synchronous>, transform_indices = @transform_4, window_bounds = array<i64: 128, 128>}, {pipeline_mode = #tpu.pipeline_mode<synchronous>, transform_indices = @transform_5, window_bounds = array<i64: 8, 128>}, {pipeline_mode = #tpu.pipeline_mode<synchronous>, transform_indices = @transform_6, window_bounds = array<i64: 1, 128>}, {transform_indices = @transform_7, window_bounds = array<i64: 256, 8>}, {transform_indices = @transform_8, window_bounds = array<i64: 256, 128>}, {transform_indices = @transform_9, window_bounds = array<i64: 256, 128>}]} {
    %get3A = arith.constant 0 : index
    %get3A_0 = arith.constant 0 : index
    %get3A_1 = vector.load %arg2[%get3A, %get3A_0] : memref<256x8xf32, #tpu.memory_space<vmem>>, vector<256x8xf32>
    %get3A_2 = arith.constant 0 : index
    %get3A_3 = arith.constant 0 : index
    %get3A_4 = vector.load %arg3[%get3A_2, %get3A_3] : memref<8x10240xf32, #tpu.memory_space<vmem>>, vector<8x10240xf32>
    %iota3A = tpu.iota {dimensions = array<i32: 1>} : vector<256x8xi32>
    %lt3A = arith.constant 3 : i32
    %lt3A_5 = vector.broadcast %lt3A : i32 to vector<256x8xi32>
    %lt3A_6 = arith.cmpi slt, %iota3A, %lt3A_5 : vector<256x8xi32>
    %jit3A = arith.constant 0.000000e+00 : f32
    %broadcast_in_dim3A = vector.broadcast %jit3A : f32 to vector<256x8xf32>
    %select_n3A = arith.select %lt3A_6, %get3A_1, %broadcast_in_dim3A : vector<256x8xi1>, vector<256x8xf32>
    %mul3A = arith.mulf %select_n3A, %select_n3A : vector<256x8xf32>
    %reduce_sum3A = arith.constant dense<0.000000e+00> : vector<256xf32>
    %reduce_sum3A_7 = vector.multi_reduction <add>, %mul3A, %reduce_sum3A [1] : vector<256x8xf32> to vector<256xf32>
    %broadcast_in_dim3A_8 = vector.shape_cast %reduce_sum3A_7 : vector<256xf32> to vector<256x1xf32>
    %mul3A_9 = arith.mulf %get3A_4, %get3A_4 : vector<8x10240xf32>
    %reduce_sum3A_10 = arith.constant dense<0.000000e+00> : vector<10240xf32>
    %reduce_sum3A_11 = vector.multi_reduction <add>, %mul3A_9, %reduce_sum3A_10 [0] : vector<8x10240xf32> to vector<10240xf32>
    %broadcast_in_dim3A_12 = vector.shape_cast %reduce_sum3A_11 : vector<10240xf32> to vector<1x10240xf32>
    %iota3A_13 = tpu.iota {dimensions = array<i32: 1>} : vector<1x10240xi32>
    %lt3A_14 = arith.constant 10000 : i32
    %lt3A_15 = vector.broadcast %lt3A_14 : i32 to vector<1x10240xi32>
    %lt3A_16 = arith.cmpi slt, %iota3A_13, %lt3A_15 : vector<1x10240xi32>
    %jit3A_17 = arith.constant 1.000000e+30 : f32
    %broadcast_in_dim3A_18 = vector.broadcast %jit3A_17 : f32 to vector<1x10240xf32>
    %select_n3A_19 = arith.select %lt3A_16, %broadcast_in_dim3A_12, %broadcast_in_dim3A_18 : vector<1x10240xi1>, vector<1x10240xf32>
    %lt3A_20 = arith.constant 3 : i32
    %lt3A_21 = vector.broadcast %lt3A_20 : i32 to vector<256x8xi32>
    %lt3A_22 = arith.cmpi slt, %iota3A, %lt3A_21 : vector<256x8xi32>
    %mul3A_23 = arith.constant -2.000000e+00 : f32
    %mul3A_24 = vector.broadcast %mul3A_23 : f32 to vector<256x8xf32>
    %mul3A_25 = arith.mulf %mul3A_24, %select_n3A : vector<256x8xf32>
    %eq3A = arith.constant 3 : i32
    %eq3A_26 = vector.broadcast %eq3A : i32 to vector<256x8xi32>
    %eq3A_27 = arith.cmpi eq, %iota3A, %eq3A_26 : vector<256x8xi32>
    %jit3A_28 = arith.constant 0.000000e+00 : f32
    %broadcast_in_dim3A_29 = vector.shape_cast %broadcast_in_dim3A_8 : vector<256x1xf32> to vector<256x1xf32>
    %broadcast_in_dim3A_30 = vector.broadcast %broadcast_in_dim3A_29 : vector<256x1xf32> to vector<256x8xf32>
    %broadcast_in_dim3A_31 = vector.broadcast %jit3A_28 : f32 to vector<256x8xf32>
    %select_n3A_32 = arith.select %eq3A_27, %broadcast_in_dim3A_30, %broadcast_in_dim3A_31 : vector<256x8xi1>, vector<256x8xf32>
    %select_n3A_33 = arith.select %lt3A_22, %mul3A_25, %select_n3A_32 : vector<256x8xi1>, vector<256x8xf32>
    %iota3A_34 = tpu.iota {dimensions = array<i32: 0>} : vector<8x10240xi32>
    %lt3A_35 = arith.constant 3 : i32
    %lt3A_36 = vector.broadcast %lt3A_35 : i32 to vector<8x10240xi32>
    %lt3A_37 = arith.cmpi slt, %iota3A_34, %lt3A_36 : vector<8x10240xi32>
    %eq3A_38 = arith.constant 3 : i32
    %eq3A_39 = vector.broadcast %eq3A_38 : i32 to vector<8x10240xi32>
    %eq3A_40 = arith.cmpi eq, %iota3A_34, %eq3A_39 : vector<8x10240xi32>
    %jit3A_41 = arith.constant 1.000000e+00 : f32
    %jit3A_42 = arith.constant 0.000000e+00 : f32
    %broadcast_in_dim3A_43 = vector.broadcast %jit3A_41 : f32 to vector<8x10240xf32>
    %broadcast_in_dim3A_44 = vector.broadcast %jit3A_42 : f32 to vector<8x10240xf32>
    %select_n3A_45 = arith.select %eq3A_40, %broadcast_in_dim3A_43, %broadcast_in_dim3A_44 : vector<8x10240xi1>, vector<8x10240xf32>
    %select_n3A_46 = arith.select %lt3A_37, %get3A_4, %select_n3A_45 : vector<8x10240xi1>, vector<8x10240xf32>
    %dot_general3A = arith.constant dense<0.000000e+00> : vector<256x10240xf32>
    %dot_general3A_47 = tpu.matmul %select_n3A_33, %select_n3A_46, %dot_general3A {dimension_numbers = #tpu.dot_dimension_numbers<[1], [0], [0], [1], [0, 0, 1, 1], [], []>, transpose_lhs_hint = false} : vector<256x8xf32>, vector<8x10240xf32>, vector<256x10240xf32> -> vector<256x10240xf32>
    %add3A = vector.broadcast %select_n3A_19 : vector<1x10240xf32> to vector<256x10240xf32>
    %add3A_48 = arith.addf %dot_general3A_47, %add3A : vector<256x10240xf32>
    %iota3A_49 = tpu.iota {dimensions = array<i32: 1>} : vector<256x128xi32>
    %broadcast_in_dim3A_50 = arith.constant 0x7F800000 : f32
    %broadcast_in_dim3A_51 = vector.broadcast %broadcast_in_dim3A_50 : f32 to vector<256x128xf32>
    %broadcast_in_dim3A_52 = arith.constant 0x7F800000 : f32
    %broadcast_in_dim3A_53 = vector.broadcast %broadcast_in_dim3A_52 : f32 to vector<256x128xf32>
    %broadcast_in_dim3A_54 = arith.constant 0x7F800000 : f32
    %broadcast_in_dim3A_55 = vector.broadcast %broadcast_in_dim3A_54 : f32 to vector<256x128xf32>
    %slice3A = vector.extract_strided_slice %add3A_48 {offsets = [0, 0], sizes = [256, 128], strides = [1, 1]} : vector<256x10240xf32> to vector<256x128xf32>
    %max3A = arith.constant 1.000000e-30 : f32
    %max3A_56 = vector.broadcast %max3A : f32 to vector<256x128xf32>
    %max3A_57 = arith.maximumf %slice3A, %max3A_56 : vector<256x128xf32>
    %bitcast_convert_type3A = tpu.bitcast %max3A_57 : vector<256x128xf32> -> vector<256x128xi32>
    %and3A = arith.constant -128 : i32
    %and3A_58 = vector.broadcast %and3A : i32 to vector<256x128xi32>
    %and3A_59 = arith.andi %bitcast_convert_type3A, %and3A_58 : vector<256x128xi32>
    %or3A = arith.constant 0 : i32
    %or3A_60 = vector.broadcast %or3A : i32 to vector<256x128xi32>
    %or3A_61 = arith.ori %and3A_59, %or3A_60 : vector<256x128xi32>
    %bitcast_convert_type3A_62 = tpu.bitcast %or3A_61 : vector<256x128xi32> -> vector<256x128xf32>
    %min3A = arith.minimumf %bitcast_convert_type3A_62, %broadcast_in_dim3A_51 : vector<256x128xf32>
    %max3A_63 = arith.maximumf %bitcast_convert_type3A_62, %broadcast_in_dim3A_51 : vector<256x128xf32>
    %min3A_64 = arith.minimumf %max3A_63, %broadcast_in_dim3A_53 : vector<256x128xf32>
    %max3A_65 = arith.maximumf %max3A_63, %broadcast_in_dim3A_53 : vector<256x128xf32>
    %min3A_66 = arith.minimumf %max3A_65, %broadcast_in_dim3A_55 : vector<256x128xf32>
    %slice3A_67 = vector.extract_strided_slice %add3A_48 {offsets = [0, 128], sizes = [256, 128], strides = [1, 1]} : vector<256x10240xf32> to vector<256x128xf32>
    %max3A_68 = arith.constant 1.000000e-30 : f32
    %max3A_69 = vector.broadcast %max3A_68 : f32 to vector<256x128xf32>
    %max3A_70 = arith.maximumf %slice3A_67, %max3A_69 : vector<256x128xf32>
    %bitcast_convert_type3A_71 = tpu.bitcast %max3A_70 : vector<256x128xf32> -> vector<256x128xi32>
    %and3A_72 = arith.constant -128 : i32
    %and3A_73 = vector.broadcast %and3A_72 : i32 to vector<256x128xi32>
    %and3A_74 = arith.andi %bitcast_convert_type3A_71, %and3A_73 : vector<256x128xi32>
    %or3A_75 = arith.constant 1 : i32
    %or3A_76 = vector.broadcast %or3A_75 : i32 to vector<256x128xi32>
    %or3A_77 = arith.ori %and3A_74, %or3A_76 : vector<256x128xi32>
    %bitcast_convert_type3A_78 = tpu.bitcast %or3A_77 : vector<256x128xi32> -> vector<256x128xf32>
    %min3A_79 = arith.minimumf %bitcast_convert_type3A_78, %min3A : vector<256x128xf32>
    %max3A_80 = arith.maximumf %bitcast_convert_type3A_78, %min3A : vector<256x128xf32>
    %min3A_81 = arith.minimumf %max3A_80, %min3A_64 : vector<256x128xf32>
    %max3A_82 = arith.maximumf %max3A_80, %min3A_64 : vector<256x128xf32>
    %min3A_83 = arith.minimumf %max3A_82, %min3A_66 : vector<256x128xf32>
    %slice3A_84 = vector.extract_strided_slice %add3A_48 {offsets = [0, 256], sizes = [256, 128], strides = [1, 1]} : vector<256x10240xf32> to vector<256x128xf32>
    %max3A_85 = arith.constant 1.000000e-30 : f32
    %max3A_86 = vector.broadcast %max3A_85 : f32 to vector<256x128xf32>
    %max3A_87 = arith.maximumf %slice3A_84, %max3A_86 : vector<256x128xf32>
    %bitcast_convert_type3A_88 = tpu.bitcast %max3A_87 : vector<256x128xf32> -> vector<256x128xi32>
    %and3A_89 = arith.constant -128 : i32
    %and3A_90 = vector.broadcast %and3A_89 : i32 to vector<256x128xi32>
    %and3A_91 = arith.andi %bitcast_convert_type3A_88, %and3A_90 : vector<256x128xi32>
    %or3A_92 = arith.constant 2 : i32
    %or3A_93 = vector.broadcast %or3A_92 : i32 to vector<256x128xi32>
    %or3A_94 = arith.ori %and3A_91, %or3A_93 : vector<256x128xi32>
    %bitcast_convert_type3A_95 = tpu.bitcast %or3A_94 : vector<256x128xi32> -> vector<256x128xf32>
    %min3A_96 = arith.minimumf %bitcast_convert_type3A_95, %min3A_79 : vector<256x128xf32>
    %max3A_97 = arith.maximumf %bitcast_convert_type3A_95, %min3A_79 : vector<256x128xf32>
    %min3A_98 = arith.minimumf %max3A_97, %min3A_81 : vector<256x128xf32>
    %max3A_99 = arith.maximumf %max3A_97, %min3A_81 : vector<256x128xf32>
    %min3A_100 = arith.minimumf %max3A_99, %min3A_83 : vector<256x128xf32>
    %slice3A_101 = vector.extract_strided_slice %add3A_48 {offsets = [0, 384], sizes = [256, 128], strides = [1, 1]} : vector<256x10240xf32> to vector<256x128xf32>
    %max3A_102 = arith.constant 1.000000e-30 : f32
    %max3A_103 = vector.broadcast %max3A_102 : f32 to vector<256x128xf32>
    %max3A_104 = arith.maximumf %slice3A_101, %max3A_103 : vector<256x128xf32>
    %bitcast_convert_type3A_105 = tpu.bitcast %max3A_104 : vector<256x128xf32> -> vector<256x128xi32>
    %and3A_106 = arith.constant -128 : i32
    %and3A_107 = vector.broadcast %and3A_106 : i32 to vector<256x128xi32>
    %and3A_108 = arith.andi %bitcast_convert_type3A_105, %and3A_107 : vector<256x128xi32>
    %or3A_109 = arith.constant 3 : i32
    %or3A_110 = vector.broadcast %or3A_109 : i32 to vector<256x128xi32>
    %or3A_111 = arith.ori %and3A_108, %or3A_110 : vector<256x128xi32>
    %bitcast_convert_type3A_112 = tpu.bitcast %or3A_111 : vector<256x128xi32> -> vector<256x128xf32>
    %min3A_113 = arith.minimumf %bitcast_convert_type3A_112, %min3A_96 : vector<256x128xf32>
    %max3A_114 = arith.maximumf %bitcast_convert_type3A_112, %min3A_96 : vector<256x128xf32>
    %min3A_115 = arith.minimumf %max3A_114, %min3A_98 : vector<256x128xf32>
    %max3A_116 = arith.maximumf %max3A_114, %min3A_98 : vector<256x128xf32>
    %min3A_117 = arith.minimumf %max3A_116, %min3A_100 : vector<256x128xf32>
    %slice3A_118 = vector.extract_strided_slice %add3A_48 {offsets = [0, 512], sizes = [256, 128], strides = [1, 1]} : vector<256x10240xf32> to vector<256x128xf32>
    %max3A_119 = arith.constant 1.000000e-30 : f32
    %max3A_120 = vector.broadcast %max3A_119 : f32 to vector<256x128xf32>
    %max3A_121 = arith.maximumf %slice3A_118, %max3A_120 : vector<256x128xf32>
    %bitcast_convert_type3A_122 = tpu.bitcast %max3A_121 : vector<256x128xf32> -> vector<256x128xi32>
    %and3A_123 = arith.constant -128 : i32
    %and3A_124 = vector.broadcast %and3A_123 : i32 to vector<256x128xi32>
    %and3A_125 = arith.andi %bitcast_convert_type3A_122, %and3A_124 : vector<256x128xi32>
    %or3A_126 = arith.constant 4 : i32
    %or3A_127 = vector.broadcast %or3A_126 : i32 to vector<256x128xi32>
    %or3A_128 = arith.ori %and3A_125, %or3A_127 : vector<256x128xi32>
    %bitcast_convert_type3A_129 = tpu.bitcast %or3A_128 : vector<256x128xi32> -> vector<256x128xf32>
    %min3A_130 = arith.minimumf %bitcast_convert_type3A_129, %min3A_113 : vector<256x128xf32>
    %max3A_131 = arith.maximumf %bitcast_convert_type3A_129, %min3A_113 : vector<256x128xf32>
    %min3A_132 = arith.minimumf %max3A_131, %min3A_115 : vector<256x128xf32>
    %max3A_133 = arith.maximumf %max3A_131, %min3A_115 : vector<256x128xf32>
    %min3A_134 = arith.minimumf %max3A_133, %min3A_117 : vector<256x128xf32>
    %slice3A_135 = vector.extract_strided_slice %add3A_48 {offsets = [0, 640], sizes = [256, 128], strides = [1, 1]} : vector<256x10240xf32> to vector<256x128xf32>
    %max3A_136 = arith.constant 1.000000e-30 : f32
    %max3A_137 = vector.broadcast %max3A_136 : f32 to vector<256x128xf32>
    %max3A_138 = arith.maximumf %slice3A_135, %max3A_137 : vector<256x128xf32>
    %bitcast_convert_type3A_139 = tpu.bitcast %max3A_138 : vector<256x128xf32> -> vector<256x128xi32>
    %and3A_140 = arith.constant -128 : i32
    %and3A_141 = vector.broadcast %and3A_140 : i32 to vector<256x128xi32>
    %and3A_142 = arith.andi %bitcast_convert_type3A_139, %and3A_141 : vector<256x128xi32>
    %or3A_143 = arith.constant 5 : i32
    %or3A_144 = vector.broadcast %or3A_143 : i32 to vector<256x128xi32>
    %or3A_145 = arith.ori %and3A_142, %or3A_144 : vector<256x128xi32>
    %bitcast_convert_type3A_146 = tpu.bitcast %or3A_145 : vector<256x128xi32> -> vector<256x128xf32>
    %min3A_147 = arith.minimumf %bitcast_convert_type3A_146, %min3A_130 : vector<256x128xf32>
    %max3A_148 = arith.maximumf %bitcast_convert_type3A_146, %min3A_130 : vector<256x128xf32>
    %min3A_149 = arith.minimumf %max3A_148, %min3A_132 : vector<256x128xf32>
    %max3A_150 = arith.maximumf %max3A_148, %min3A_132 : vector<256x128xf32>
    %min3A_151 = arith.minimumf %max3A_150, %min3A_134 : vector<256x128xf32>
    %slice3A_152 = vector.extract_strided_slice %add3A_48 {offsets = [0, 768], sizes = [256, 128], strides = [1, 1]} : vector<256x10240xf32> to vector<256x128xf32>
    %max3A_153 = arith.constant 1.000000e-30 : f32
    %max3A_154 = vector.broadcast %max3A_153 : f32 to vector<256x128xf32>
    %max3A_155 = arith.maximumf %slice3A_152, %max3A_154 : vector<256x128xf32>
    %bitcast_convert_type3A_156 = tpu.bitcast %max3A_155 : vector<256x128xf32> -> vector<256x128xi32>
    %and3A_157 = arith.constant -128 : i32
    %and3A_158 = vector.broadcast %and3A_157 : i32 to vector<256x128xi32>
    %and3A_159 = arith.andi %bitcast_convert_type3A_156, %and3A_158 : vector<256x128xi32>
    %or3A_160 = arith.constant 6 : i32
    %or3A_161 = vector.broadcast %or3A_160 : i32 to vector<256x128xi32>
    %or3A_162 = arith.ori %and3A_159, %or3A_161 : vector<256x128xi32>
    %bitcast_convert_type3A_163 = tpu.bitcast %or3A_162 : vector<256x128xi32> -> vector<256x128xf32>
    %min3A_164 = arith.minimumf %bitcast_convert_type3A_163, %min3A_147 : vector<256x128xf32>
    %max3A_165 = arith.maximumf %bitcast_convert_type3A_163, %min3A_147 : vector<256x128xf32>
    %min3A_166 = arith.minimumf %max3A_165, %min3A_149 : vector<256x128xf32>
    %max3A_167 = arith.maximumf %max3A_165, %min3A_149 : vector<256x128xf32>
    %min3A_168 = arith.minimumf %max3A_167, %min3A_151 : vector<256x128xf32>
    %slice3A_169 = vector.extract_strided_slice %add3A_48 {offsets = [0, 896], sizes = [256, 128], strides = [1, 1]} : vector<256x10240xf32> to vector<256x128xf32>
    %max3A_170 = arith.constant 1.000000e-30 : f32
    %max3A_171 = vector.broadcast %max3A_170 : f32 to vector<256x128xf32>
    %max3A_172 = arith.maximumf %slice3A_169, %max3A_171 : vector<256x128xf32>
    %bitcast_convert_type3A_173 = tpu.bitcast %max3A_172 : vector<256x128xf32> -> vector<256x128xi32>
    %and3A_174 = arith.constant -128 : i32
    %and3A_175 = vector.broadcast %and3A_174 : i32 to vector<256x128xi32>
    %and3A_176 = arith.andi %bitcast_convert_type3A_173, %and3A_175 : vector<256x128xi32>
    %or3A_177 = arith.constant 7 : i32
    %or3A_178 = vector.broadcast %or3A_177 : i32 to vector<256x128xi32>
    %or3A_179 = arith.ori %and3A_176, %or3A_178 : vector<256x128xi32>
    %bitcast_convert_type3A_180 = tpu.bitcast %or3A_179 : vector<256x128xi32> -> vector<256x128xf32>
    %min3A_181 = arith.minimumf %bitcast_convert_type3A_180, %min3A_164 : vector<256x128xf32>
    %max3A_182 = arith.maximumf %bitcast_convert_type3A_180, %min3A_164 : vector<256x128xf32>
    %min3A_183 = arith.minimumf %max3A_182, %min3A_166 : vector<256x128xf32>
    %max3A_184 = arith.maximumf %max3A_182, %min3A_166 : vector<256x128xf32>
    %min3A_185 = arith.minimumf %max3A_184, %min3A_168 : vector<256x128xf32>
    %slice3A_186 = vector.extract_strided_slice %add3A_48 {offsets = [0, 1024], sizes = [256, 128], strides = [1, 1]} : vector<256x10240xf32> to vector<256x128xf32>
    %max3A_187 = arith.constant 1.000000e-30 : f32
    %max3A_188 = vector.broadcast %max3A_187 : f32 to vector<256x128xf32>
    %max3A_189 = arith.maximumf %slice3A_186, %max3A_188 : vector<256x128xf32>
    %bitcast_convert_type3A_190 = tpu.bitcast %max3A_189 : vector<256x128xf32> -> vector<256x128xi32>
    %and3A_191 = arith.constant -128 : i32
    %and3A_192 = vector.broadcast %and3A_191 : i32 to vector<256x128xi32>
    %and3A_193 = arith.andi %bitcast_convert_type3A_190, %and3A_192 : vector<256x128xi32>
    %or3A_194 = arith.constant 8 : i32
    %or3A_195 = vector.broadcast %or3A_194 : i32 to vector<256x128xi32>
    %or3A_196 = arith.ori %and3A_193, %or3A_195 : vector<256x128xi32>
    %bitcast_convert_type3A_197 = tpu.bitcast %or3A_196 : vector<256x128xi32> -> vector<256x128xf32>
    %min3A_198 = arith.minimumf %bitcast_convert_type3A_197, %min3A_181 : vector<256x128xf32>
    %max3A_199 = arith.maximumf %bitcast_convert_type3A_197, %min3A_181 : vector<256x128xf32>
    %min3A_200 = arith.minimumf %max3A_199, %min3A_183 : vector<256x128xf32>
    %max3A_201 = arith.maximumf %max3A_199, %min3A_183 : vector<256x128xf32>
    %min3A_202 = arith.minimumf %max3A_201, %min3A_185 : vector<256x128xf32>
    %slice3A_203 = vector.extract_strided_slice %add3A_48 {offsets = [0, 1152], sizes = [256, 128], strides = [1, 1]} : vector<256x10240xf32> to vector<256x128xf32>
    %max3A_204 = arith.constant 1.000000e-30 : f32
    %max3A_205 = vector.broadcast %max3A_204 : f32 to vector<256x128xf32>
    %max3A_206 = arith.maximumf %slice3A_203, %max3A_205 : vector<256x128xf32>
    %bitcast_convert_type3A_207 = tpu.bitcast %max3A_206 : vector<256x128xf32> -> vector<256x128xi32>
    %and3A_208 = arith.constant -128 : i32
    %and3A_209 = vector.broadcast %and3A_208 : i32 to vector<256x128xi32>
    %and3A_210 = arith.andi %bitcast_convert_type3A_207, %and3A_209 : vector<256x128xi32>
    %or3A_211 = arith.constant 9 : i32
    %or3A_212 = vector.broadcast %or3A_211 : i32 to vector<256x128xi32>
    %or3A_213 = arith.ori %and3A_210, %or3A_212 : vector<256x128xi32>
    %bitcast_convert_type3A_214 = tpu.bitcast %or3A_213 : vector<256x128xi32> -> vector<256x128xf32>
    %min3A_215 = arith.minimumf %bitcast_convert_type3A_214, %min3A_198 : vector<256x128xf32>
    %max3A_216 = arith.maximumf %bitcast_convert_type3A_214, %min3A_198 : vector<256x128xf32>
    %min3A_217 = arith.minimumf %max3A_216, %min3A_200 : vector<256x128xf32>
    %max3A_218 = arith.maximumf %max3A_216, %min3A_200 : vector<256x128xf32>
    %min3A_219 = arith.minimumf %max3A_218, %min3A_202 : vector<256x128xf32>
    %slice3A_220 = vector.extract_strided_slice %add3A_48 {offsets = [0, 1280], sizes = [256, 128], strides = [1, 1]} : vector<256x10240xf32> to vector<256x128xf32>
    %max3A_221 = arith.constant 1.000000e-30 : f32
    %max3A_222 = vector.broadcast %max3A_221 : f32 to vector<256x128xf32>
    %max3A_223 = arith.maximumf %slice3A_220, %max3A_222 : vector<256x128xf32>
    %bitcast_convert_type3A_224 = tpu.bitcast %max3A_223 : vector<256x128xf32> -> vector<256x128xi32>
    %and3A_225 = arith.constant -128 : i32
    %and3A_226 = vector.broadcast %and3A_225 : i32 to vector<256x128xi32>
    %and3A_227 = arith.andi %bitcast_convert_type3A_224, %and3A_226 : vector<256x128xi32>
    %or3A_228 = arith.constant 10 : i32
    %or3A_229 = vector.broadcast %or3A_228 : i32 to vector<256x128xi32>
    %or3A_230 = arith.ori %and3A_227, %or3A_229 : vector<256x128xi32>
    %bitcast_convert_type3A_231 = tpu.bitcast %or3A_230 : vector<256x128xi32> -> vector<256x128xf32>
    %min3A_232 = arith.minimumf %bitcast_convert_type3A_231, %min3A_215 : vector<256x128xf32>
    %max3A_233 = arith.maximumf %bitcast_convert_type3A_231, %min3A_215 : vector<256x128xf32>
    %min3A_234 = arith.minimumf %max3A_233, %min3A_217 : vector<256x128xf32>
    %max3A_235 = arith.maximumf %max3A_233, %min3A_217 : vector<256x128xf32>
    %min3A_236 = arith.minimumf %max3A_235, %min3A_219 : vector<256x128xf32>
    %slice3A_237 = vector.extract_strided_slice %add3A_48 {offsets = [0, 1408], sizes = [256, 128], strides = [1, 1]} : vector<256x10240xf32> to vector<256x128xf32>
    %max3A_238 = arith.constant 1.000000e-30 : f32
    %max3A_239 = vector.broadcast %max3A_238 : f32 to vector<256x128xf32>
    %max3A_240 = arith.maximumf %slice3A_237, %max3A_239 : vector<256x128xf32>
    %bitcast_convert_type3A_241 = tpu.bitcast %max3A_240 : vector<256x128xf32> -> vector<256x128xi32>
    %and3A_242 = arith.constant -128 : i32
    %and3A_243 = vector.broadcast %and3A_242 : i32 to vector<256x128xi32>
    %and3A_244 = arith.andi %bitcast_convert_type3A_241, %and3A_243 : vector<256x128xi32>
    %or3A_245 = arith.constant 11 : i32
    %or3A_246 = vector.broadcast %or3A_245 : i32 to vector<256x128xi32>
    %or3A_247 = arith.ori %and3A_244, %or3A_246 : vector<256x128xi32>
    %bitcast_convert_type3A_248 = tpu.bitcast %or3A_247 : vector<256x128xi32> -> vector<256x128xf32>
    %min3A_249 = arith.minimumf %bitcast_convert_type3A_248, %min3A_232 : vector<256x128xf32>
    %max3A_250 = arith.maximumf %bitcast_convert_type3A_248, %min3A_232 : vector<256x128xf32>
    %min3A_251 = arith.minimumf %max3A_250, %min3A_234 : vector<256x128xf32>
    %max3A_252 = arith.maximumf %max3A_250, %min3A_234 : vector<256x128xf32>
    %min3A_253 = arith.minimumf %max3A_252, %min3A_236 : vector<256x128xf32>
    %slice3A_254 = vector.extract_strided_slice %add3A_48 {offsets = [0, 1536], sizes = [256, 128], strides = [1, 1]} : vector<256x10240xf32> to vector<256x128xf32>
    %max3A_255 = arith.constant 1.000000e-30 : f32
    %max3A_256 = vector.broadcast %max3A_255 : f32 to vector<256x128xf32>
    %max3A_257 = arith.maximumf %slice3A_254, %max3A_256 : vector<256x128xf32>
    %bitcast_convert_type3A_258 = tpu.bitcast %max3A_257 : vector<256x128xf32> -> vector<256x128xi32>
    %and3A_259 = arith.constant -128 : i32
    %and3A_260 = vector.broadcast %and3A_259 : i32 to vector<256x128xi32>
    %and3A_261 = arith.andi %bitcast_convert_type3A_258, %and3A_260 : vector<256x128xi32>
    %or3A_262 = arith.constant 12 : i32
    %or3A_263 = vector.broadcast %or3A_262 : i32 to vector<256x128xi32>
    %or3A_264 = arith.ori %and3A_261, %or3A_263 : vector<256x128xi32>
    %bitcast_convert_type3A_265 = tpu.bitcast %or3A_264 : vector<256x128xi32> -> vector<256x128xf32>
    %min3A_266 = arith.minimumf %bitcast_convert_type3A_265, %min3A_249 : vector<256x128xf32>
    %max3A_267 = arith.maximumf %bitcast_convert_type3A_265, %min3A_249 : vector<256x128xf32>
    %min3A_268 = arith.minimumf %max3A_267, %min3A_251 : vector<256x128xf32>
    %max3A_269 = arith.maximumf %max3A_267, %min3A_251 : vector<256x128xf32>
    %min3A_270 = arith.minimumf %max3A_269, %min3A_253 : vector<256x128xf32>
    %slice3A_271 = vector.extract_strided_slice %add3A_48 {offsets = [0, 1664], sizes = [256, 128], strides = [1, 1]} : vector<256x10240xf32> to vector<256x128xf32>
    %max3A_272 = arith.constant 1.000000e-30 : f32
    %max3A_273 = vector.broadcast %max3A_272 : f32 to vector<256x128xf32>
    %max3A_274 = arith.maximumf %slice3A_271, %max3A_273 : vector<256x128xf32>
    %bitcast_convert_type3A_275 = tpu.bitcast %max3A_274 : vector<256x128xf32> -> vector<256x128xi32>
    %and3A_276 = arith.constant -128 : i32
    %and3A_277 = vector.broadcast %and3A_276 : i32 to vector<256x128xi32>
    %and3A_278 = arith.andi %bitcast_convert_type3A_275, %and3A_277 : vector<256x128xi32>
    %or3A_279 = arith.constant 13 : i32
    %or3A_280 = vector.broadcast %or3A_279 : i32 to vector<256x128xi32>
    %or3A_281 = arith.ori %and3A_278, %or3A_280 : vector<256x128xi32>
    %bitcast_convert_type3A_282 = tpu.bitcast %or3A_281 : vector<256x128xi32> -> vector<256x128xf32>
    %min3A_283 = arith.minimumf %bitcast_convert_type3A_282, %min3A_266 : vector<256x128xf32>
    %max3A_284 = arith.maximumf %bitcast_convert_type3A_282, %min3A_266 : vector<256x128xf32>
    %min3A_285 = arith.minimumf %max3A_284, %min3A_268 : vector<256x128xf32>
    %max3A_286 = arith.maximumf %max3A_284, %min3A_268 : vector<256x128xf32>
    %min3A_287 = arith.minimumf %max3A_286, %min3A_270 : vector<256x128xf32>
    %slice3A_288 = vector.extract_strided_slice %add3A_48 {offsets = [0, 1792], sizes = [256, 128], strides = [1, 1]} : vector<256x10240xf32> to vector<256x128xf32>
    %max3A_289 = arith.constant 1.000000e-30 : f32
    %max3A_290 = vector.broadcast %max3A_289 : f32 to vector<256x128xf32>
    %max3A_291 = arith.maximumf %slice3A_288, %max3A_290 : vector<256x128xf32>
    %bitcast_convert_type3A_292 = tpu.bitcast %max3A_291 : vector<256x128xf32> -> vector<256x128xi32>
    %and3A_293 = arith.constant -128 : i32
    %and3A_294 = vector.broadcast %and3A_293 : i32 to vector<256x128xi32>
    %and3A_295 = arith.andi %bitcast_convert_type3A_292, %and3A_294 : vector<256x128xi32>
    %or3A_296 = arith.constant 14 : i32
    %or3A_297 = vector.broadcast %or3A_296 : i32 to vector<256x128xi32>
    %or3A_298 = arith.ori %and3A_295, %or3A_297 : vector<256x128xi32>
    %bitcast_convert_type3A_299 = tpu.bitcast %or3A_298 : vector<256x128xi32> -> vector<256x128xf32>
    %min3A_300 = arith.minimumf %bitcast_convert_type3A_299, %min3A_283 : vector<256x128xf32>
    %max3A_301 = arith.maximumf %bitcast_convert_type3A_299, %min3A_283 : vector<256x128xf32>
    %min3A_302 = arith.minimumf %max3A_301, %min3A_285 : vector<256x128xf32>
    %max3A_303 = arith.maximumf %max3A_301, %min3A_285 : vector<256x128xf32>
    %min3A_304 = arith.minimumf %max3A_303, %min3A_287 : vector<256x128xf32>
    %slice3A_305 = vector.extract_strided_slice %add3A_48 {offsets = [0, 1920], sizes = [256, 128], strides = [1, 1]} : vector<256x10240xf32> to vector<256x128xf32>
    %max3A_306 = arith.constant 1.000000e-30 : f32
    %max3A_307 = vector.broadcast %max3A_306 : f32 to vector<256x128xf32>
    %max3A_308 = arith.maximumf %slice3A_305, %max3A_307 : vector<256x128xf32>
    %bitcast_convert_type3A_309 = tpu.bitcast %max3A_308 : vector<256x128xf32> -> vector<256x128xi32>
    %and3A_310 = arith.constant -128 : i32
    %and3A_311 = vector.broadcast %and3A_310 : i32 to vector<256x128xi32>
    %and3A_312 = arith.andi %bitcast_convert_type3A_309, %and3A_311 : vector<256x128xi32>
    %or3A_313 = arith.constant 15 : i32
    %or3A_314 = vector.broadcast %or3A_313 : i32 to vector<256x128xi32>
    %or3A_315 = arith.ori %and3A_312, %or3A_314 : vector<256x128xi32>
    %bitcast_convert_type3A_316 = tpu.bitcast %or3A_315 : vector<256x128xi32> -> vector<256x128xf32>
    %min3A_317 = arith.minimumf %bitcast_convert_type3A_316, %min3A_300 : vector<256x128xf32>
    %max3A_318 = arith.maximumf %bitcast_convert_type3A_316, %min3A_300 : vector<256x128xf32>
    %min3A_319 = arith.minimumf %max3A_318, %min3A_302 : vector<256x128xf32>
    %max3A_320 = arith.maximumf %max3A_318, %min3A_302 : vector<256x128xf32>
    %min3A_321 = arith.minimumf %max3A_320, %min3A_304 : vector<256x128xf32>
    %slice3A_322 = vector.extract_strided_slice %add3A_48 {offsets = [0, 2048], sizes = [256, 128], strides = [1, 1]} : vector<256x10240xf32> to vector<256x128xf32>
    %max3A_323 = arith.constant 1.000000e-30 : f32
    %max3A_324 = vector.broadcast %max3A_323 : f32 to vector<256x128xf32>
    %max3A_325 = arith.maximumf %slice3A_322, %max3A_324 : vector<256x128xf32>
    %bitcast_convert_type3A_326 = tpu.bitcast %max3A_325 : vector<256x128xf32> -> vector<256x128xi32>
    %and3A_327 = arith.constant -128 : i32
    %and3A_328 = vector.broadcast %and3A_327 : i32 to vector<256x128xi32>
    %and3A_329 = arith.andi %bitcast_convert_type3A_326, %and3A_328 : vector<256x128xi32>
    %or3A_330 = arith.constant 16 : i32
    %or3A_331 = vector.broadcast %or3A_330 : i32 to vector<256x128xi32>
    %or3A_332 = arith.ori %and3A_329, %or3A_331 : vector<256x128xi32>
    %bitcast_convert_type3A_333 = tpu.bitcast %or3A_332 : vector<256x128xi32> -> vector<256x128xf32>
    %min3A_334 = arith.minimumf %bitcast_convert_type3A_333, %min3A_317 : vector<256x128xf32>
    %max3A_335 = arith.maximumf %bitcast_convert_type3A_333, %min3A_317 : vector<256x128xf32>
    %min3A_336 = arith.minimumf %max3A_335, %min3A_319 : vector<256x128xf32>
    %max3A_337 = arith.maximumf %max3A_335, %min3A_319 : vector<256x128xf32>
    %min3A_338 = arith.minimumf %max3A_337, %min3A_321 : vector<256x128xf32>
    %slice3A_339 = vector.extract_strided_slice %add3A_48 {offsets = [0, 2176], sizes = [256, 128], strides = [1, 1]} : vector<256x10240xf32> to vector<256x128xf32>
    %max3A_340 = arith.constant 1.000000e-30 : f32
    %max3A_341 = vector.broadcast %max3A_340 : f32 to vector<256x128xf32>
    %max3A_342 = arith.maximumf %slice3A_339, %max3A_341 : vector<256x128xf32>
    %bitcast_convert_type3A_343 = tpu.bitcast %max3A_342 : vector<256x128xf32> -> vector<256x128xi32>
    %and3A_344 = arith.constant -128 : i32
    %and3A_345 = vector.broadcast %and3A_344 : i32 to vector<256x128xi32>
    %and3A_346 = arith.andi %bitcast_convert_type3A_343, %and3A_345 : vector<256x128xi32>
    %or3A_347 = arith.constant 17 : i32
    %or3A_348 = vector.broadcast %or3A_347 : i32 to vector<256x128xi32>
    %or3A_349 = arith.ori %and3A_346, %or3A_348 : vector<256x128xi32>
    %bitcast_convert_type3A_350 = tpu.bitcast %or3A_349 : vector<256x128xi32> -> vector<256x128xf32>
    %min3A_351 = arith.minimumf %bitcast_convert_type3A_350, %min3A_334 : vector<256x128xf32>
    %max3A_352 = arith.maximumf %bitcast_convert_type3A_350, %min3A_334 : vector<256x128xf32>
    %min3A_353 = arith.minimumf %max3A_352, %min3A_336 : vector<256x128xf32>
    %max3A_354 = arith.maximumf %max3A_352, %min3A_336 : vector<256x128xf32>
    %min3A_355 = arith.minimumf %max3A_354, %min3A_338 : vector<256x128xf32>
    %slice3A_356 = vector.extract_strided_slice %add3A_48 {offsets = [0, 2304], sizes = [256, 128], strides = [1, 1]} : vector<256x10240xf32> to vector<256x128xf32>
    %max3A_357 = arith.constant 1.000000e-30 : f32
    %max3A_358 = vector.broadcast %max3A_357 : f32 to vector<256x128xf32>
    %max3A_359 = arith.maximumf %slice3A_356, %max3A_358 : vector<256x128xf32>
    %bitcast_convert_type3A_360 = tpu.bitcast %max3A_359 : vector<256x128xf32> -> vector<256x128xi32>
    %and3A_361 = arith.constant -128 : i32
    %and3A_362 = vector.broadcast %and3A_361 : i32 to vector<256x128xi32>
    %and3A_363 = arith.andi %bitcast_convert_type3A_360, %and3A_362 : vector<256x128xi32>
    %or3A_364 = arith.constant 18 : i32
    %or3A_365 = vector.broadcast %or3A_364 : i32 to vector<256x128xi32>
    %or3A_366 = arith.ori %and3A_363, %or3A_365 : vector<256x128xi32>
    %bitcast_convert_type3A_367 = tpu.bitcast %or3A_366 : vector<256x128xi32> -> vector<256x128xf32>
    %min3A_368 = arith.minimumf %bitcast_convert_type3A_367, %min3A_351 : vector<256x128xf32>
    %max3A_369 = arith.maximumf %bitcast_convert_type3A_367, %min3A_351 : vector<256x128xf32>
    %min3A_370 = arith.minimumf %max3A_369, %min3A_353 : vector<256x128xf32>
    %max3A_371 = arith.maximumf %max3A_369, %min3A_353 : vector<256x128xf32>
    %min3A_372 = arith.minimumf %max3A_371, %min3A_355 : vector<256x128xf32>
    %slice3A_373 = vector.extract_strided_slice %add3A_48 {offsets = [0, 2432], sizes = [256, 128], strides = [1, 1]} : vector<256x10240xf32> to vector<256x128xf32>
    %max3A_374 = arith.constant 1.000000e-30 : f32
    %max3A_375 = vector.broadcast %max3A_374 : f32 to vector<256x128xf32>
    %max3A_376 = arith.maximumf %slice3A_373, %max3A_375 : vector<256x128xf32>
    %bitcast_convert_type3A_377 = tpu.bitcast %max3A_376 : vector<256x128xf32> -> vector<256x128xi32>
    %and3A_378 = arith.constant -128 : i32
    %and3A_379 = vector.broadcast %and3A_378 : i32 to vector<256x128xi32>
    %and3A_380 = arith.andi %bitcast_convert_type3A_377, %and3A_379 : vector<256x128xi32>
    %or3A_381 = arith.constant 19 : i32
    %or3A_382 = vector.broadcast %or3A_381 : i32 to vector<256x128xi32>
    %or3A_383 = arith.ori %and3A_380, %or3A_382 : vector<256x128xi32>
    %bitcast_convert_type3A_384 = tpu.bitcast %or3A_383 : vector<256x128xi32> -> vector<256x128xf32>
    %min3A_385 = arith.minimumf %bitcast_convert_type3A_384, %min3A_368 : vector<256x128xf32>
    %max3A_386 = arith.maximumf %bitcast_convert_type3A_384, %min3A_368 : vector<256x128xf32>
    %min3A_387 = arith.minimumf %max3A_386, %min3A_370 : vector<256x128xf32>
    %max3A_388 = arith.maximumf %max3A_386, %min3A_370 : vector<256x128xf32>
    %min3A_389 = arith.minimumf %max3A_388, %min3A_372 : vector<256x128xf32>
    %slice3A_390 = vector.extract_strided_slice %add3A_48 {offsets = [0, 2560], sizes = [256, 128], strides = [1, 1]} : vector<256x10240xf32> to vector<256x128xf32>
    %max3A_391 = arith.constant 1.000000e-30 : f32
    %max3A_392 = vector.broadcast %max3A_391 : f32 to vector<256x128xf32>
    %max3A_393 = arith.maximumf %slice3A_390, %max3A_392 : vector<256x128xf32>
    %bitcast_convert_type3A_394 = tpu.bitcast %max3A_393 : vector<256x128xf32> -> vector<256x128xi32>
    %and3A_395 = arith.constant -128 : i32
    %and3A_396 = vector.broadcast %and3A_395 : i32 to vector<256x128xi32>
    %and3A_397 = arith.andi %bitcast_convert_type3A_394, %and3A_396 : vector<256x128xi32>
    %or3A_398 = arith.constant 20 : i32
    %or3A_399 = vector.broadcast %or3A_398 : i32 to vector<256x128xi32>
    %or3A_400 = arith.ori %and3A_397, %or3A_399 : vector<256x128xi32>
    %bitcast_convert_type3A_401 = tpu.bitcast %or3A_400 : vector<256x128xi32> -> vector<256x128xf32>
    %min3A_402 = arith.minimumf %bitcast_convert_type3A_401, %min3A_385 : vector<256x128xf32>
    %max3A_403 = arith.maximumf %bitcast_convert_type3A_401, %min3A_385 : vector<256x128xf32>
    %min3A_404 = arith.minimumf %max3A_403, %min3A_387 : vector<256x128xf32>
    %max3A_405 = arith.maximumf %max3A_403, %min3A_387 : vector<256x128xf32>
    %min3A_406 = arith.minimumf %max3A_405, %min3A_389 : vector<256x128xf32>
    %slice3A_407 = vector.extract_strided_slice %add3A_48 {offsets = [0, 2688], sizes = [256, 128], strides = [1, 1]} : vector<256x10240xf32> to vector<256x128xf32>
    %max3A_408 = arith.constant 1.000000e-30 : f32
    %max3A_409 = vector.broadcast %max3A_408 : f32 to vector<256x128xf32>
    %max3A_410 = arith.maximumf %slice3A_407, %max3A_409 : vector<256x128xf32>
    %bitcast_convert_type3A_411 = tpu.bitcast %max3A_410 : vector<256x128xf32> -> vector<256x128xi32>
    %and3A_412 = arith.constant -128 : i32
    %and3A_413 = vector.broadcast %and3A_412 : i32 to vector<256x128xi32>
    %and3A_414 = arith.andi %bitcast_convert_type3A_411, %and3A_413 : vector<256x128xi32>
    %or3A_415 = arith.constant 21 : i32
    %or3A_416 = vector.broadcast %or3A_415 : i32 to vector<256x128xi32>
    %or3A_417 = arith.ori %and3A_414, %or3A_416 : vector<256x128xi32>
    %bitcast_convert_type3A_418 = tpu.bitcast %or3A_417 : vector<256x128xi32> -> vector<256x128xf32>
    %min3A_419 = arith.minimumf %bitcast_convert_type3A_418, %min3A_402 : vector<256x128xf32>
    %max3A_420 = arith.maximumf %bitcast_convert_type3A_418, %min3A_402 : vector<256x128xf32>
    %min3A_421 = arith.minimumf %max3A_420, %min3A_404 : vector<256x128xf32>
    %max3A_422 = arith.maximumf %max3A_420, %min3A_404 : vector<256x128xf32>
    %min3A_423 = arith.minimumf %max3A_422, %min3A_406 : vector<256x128xf32>
    %slice3A_424 = vector.extract_strided_slice %add3A_48 {offsets = [0, 2816], sizes = [256, 128], strides = [1, 1]} : vector<256x10240xf32> to vector<256x128xf32>
    %max3A_425 = arith.constant 1.000000e-30 : f32
    %max3A_426 = vector.broadcast %max3A_425 : f32 to vector<256x128xf32>
    %max3A_427 = arith.maximumf %slice3A_424, %max3A_426 : vector<256x128xf32>
    %bitcast_convert_type3A_428 = tpu.bitcast %max3A_427 : vector<256x128xf32> -> vector<256x128xi32>
    %and3A_429 = arith.constant -128 : i32
    %and3A_430 = vector.broadcast %and3A_429 : i32 to vector<256x128xi32>
    %and3A_431 = arith.andi %bitcast_convert_type3A_428, %and3A_430 : vector<256x128xi32>
    %or3A_432 = arith.constant 22 : i32
    %or3A_433 = vector.broadcast %or3A_432 : i32 to vector<256x128xi32>
    %or3A_434 = arith.ori %and3A_431, %or3A_433 : vector<256x128xi32>
    %bitcast_convert_type3A_435 = tpu.bitcast %or3A_434 : vector<256x128xi32> -> vector<256x128xf32>
    %min3A_436 = arith.minimumf %bitcast_convert_type3A_435, %min3A_419 : vector<256x128xf32>
    %max3A_437 = arith.maximumf %bitcast_convert_type3A_435, %min3A_419 : vector<256x128xf32>
    %min3A_438 = arith.minimumf %max3A_437, %min3A_421 : vector<256x128xf32>
    %max3A_439 = arith.maximumf %max3A_437, %min3A_421 : vector<256x128xf32>
    %min3A_440 = arith.minimumf %max3A_439, %min3A_423 : vector<256x128xf32>
    %slice3A_441 = vector.extract_strided_slice %add3A_48 {offsets = [0, 2944], sizes = [256, 128], strides = [1, 1]} : vector<256x10240xf32> to vector<256x128xf32>
    %max3A_442 = arith.constant 1.000000e-30 : f32
    %max3A_443 = vector.broadcast %max3A_442 : f32 to vector<256x128xf32>
    %max3A_444 = arith.maximumf %slice3A_441, %max3A_443 : vector<256x128xf32>
    %bitcast_convert_type3A_445 = tpu.bitcast %max3A_444 : vector<256x128xf32> -> vector<256x128xi32>
    %and3A_446 = arith.constant -128 : i32
    %and3A_447 = vector.broadcast %and3A_446 : i32 to vector<256x128xi32>
    %and3A_448 = arith.andi %bitcast_convert_type3A_445, %and3A_447 : vector<256x128xi32>
    %or3A_449 = arith.constant 23 : i32
    %or3A_450 = vector.broadcast %or3A_449 : i32 to vector<256x128xi32>
    %or3A_451 = arith.ori %and3A_448, %or3A_450 : vector<256x128xi32>
    %bitcast_convert_type3A_452 = tpu.bitcast %or3A_451 : vector<256x128xi32> -> vector<256x128xf32>
    %min3A_453 = arith.minimumf %bitcast_convert_type3A_452, %min3A_436 : vector<256x128xf32>
    %max3A_454 = arith.maximumf %bitcast_convert_type3A_452, %min3A_436 : vector<256x128xf32>
    %min3A_455 = arith.minimumf %max3A_454, %min3A_438 : vector<256x128xf32>
    %max3A_456 = arith.maximumf %max3A_454, %min3A_438 : vector<256x128xf32>
    %min3A_457 = arith.minimumf %max3A_456, %min3A_440 : vector<256x128xf32>
    %slice3A_458 = vector.extract_strided_slice %add3A_48 {offsets = [0, 3072], sizes = [256, 128], strides = [1, 1]} : vector<256x10240xf32> to vector<256x128xf32>
    %max3A_459 = arith.constant 1.000000e-30 : f32
    %max3A_460 = vector.broadcast %max3A_459 : f32 to vector<256x128xf32>
    %max3A_461 = arith.maximumf %slice3A_458, %max3A_460 : vector<256x128xf32>
    %bitcast_convert_type3A_462 = tpu.bitcast %max3A_461 : vector<256x128xf32> -> vector<256x128xi32>
    %and3A_463 = arith.constant -128 : i32
    %and3A_464 = vector.broadcast %and3A_463 : i32 to vector<256x128xi32>
    %and3A_465 = arith.andi %bitcast_convert_type3A_462, %and3A_464 : vector<256x128xi32>
    %or3A_466 = arith.constant 24 : i32
    %or3A_467 = vector.broadcast %or3A_466 : i32 to vector<256x128xi32>
    %or3A_468 = arith.ori %and3A_465, %or3A_467 : vector<256x128xi32>
    %bitcast_convert_type3A_469 = tpu.bitcast %or3A_468 : vector<256x128xi32> -> vector<256x128xf32>
    %min3A_470 = arith.minimumf %bitcast_convert_type3A_469, %min3A_453 : vector<256x128xf32>
    %max3A_471 = arith.maximumf %bitcast_convert_type3A_469, %min3A_453 : vector<256x128xf32>
    %min3A_472 = arith.minimumf %max3A_471, %min3A_455 : vector<256x128xf32>
    %max3A_473 = arith.maximumf %max3A_471, %min3A_455 : vector<256x128xf32>
    %min3A_474 = arith.minimumf %max3A_473, %min3A_457 : vector<256x128xf32>
    %slice3A_475 = vector.extract_strided_slice %add3A_48 {offsets = [0, 3200], sizes = [256, 128], strides = [1, 1]} : vector<256x10240xf32> to vector<256x128xf32>
    %max3A_476 = arith.constant 1.000000e-30 : f32
    %max3A_477 = vector.broadcast %max3A_476 : f32 to vector<256x128xf32>
    %max3A_478 = arith.maximumf %slice3A_475, %max3A_477 : vector<256x128xf32>
    %bitcast_convert_type3A_479 = tpu.bitcast %max3A_478 : vector<256x128xf32> -> vector<256x128xi32>
    %and3A_480 = arith.constant -128 : i32
    %and3A_481 = vector.broadcast %and3A_480 : i32 to vector<256x128xi32>
    %and3A_482 = arith.andi %bitcast_convert_type3A_479, %and3A_481 : vector<256x128xi32>
    %or3A_483 = arith.constant 25 : i32
    %or3A_484 = vector.broadcast %or3A_483 : i32 to vector<256x128xi32>
    %or3A_485 = arith.ori %and3A_482, %or3A_484 : vector<256x128xi32>
    %bitcast_convert_type3A_486 = tpu.bitcast %or3A_485 : vector<256x128xi32> -> vector<256x128xf32>
    %min3A_487 = arith.minimumf %bitcast_convert_type3A_486, %min3A_470 : vector<256x128xf32>
    %max3A_488 = arith.maximumf %bitcast_convert_type3A_486, %min3A_470 : vector<256x128xf32>
    %min3A_489 = arith.minimumf %max3A_488, %min3A_472 : vector<256x128xf32>
    %max3A_490 = arith.maximumf %max3A_488, %min3A_472 : vector<256x128xf32>
    %min3A_491 = arith.minimumf %max3A_490, %min3A_474 : vector<256x128xf32>
    %slice3A_492 = vector.extract_strided_slice %add3A_48 {offsets = [0, 3328], sizes = [256, 128], strides = [1, 1]} : vector<256x10240xf32> to vector<256x128xf32>
    %max3A_493 = arith.constant 1.000000e-30 : f32
    %max3A_494 = vector.broadcast %max3A_493 : f32 to vector<256x128xf32>
    %max3A_495 = arith.maximumf %slice3A_492, %max3A_494 : vector<256x128xf32>
    %bitcast_convert_type3A_496 = tpu.bitcast %max3A_495 : vector<256x128xf32> -> vector<256x128xi32>
    %and3A_497 = arith.constant -128 : i32
    %and3A_498 = vector.broadcast %and3A_497 : i32 to vector<256x128xi32>
    %and3A_499 = arith.andi %bitcast_convert_type3A_496, %and3A_498 : vector<256x128xi32>
    %or3A_500 = arith.constant 26 : i32
    %or3A_501 = vector.broadcast %or3A_500 : i32 to vector<256x128xi32>
    %or3A_502 = arith.ori %and3A_499, %or3A_501 : vector<256x128xi32>
    %bitcast_convert_type3A_503 = tpu.bitcast %or3A_502 : vector<256x128xi32> -> vector<256x128xf32>
    %min3A_504 = arith.minimumf %bitcast_convert_type3A_503, %min3A_487 : vector<256x128xf32>
    %max3A_505 = arith.maximumf %bitcast_convert_type3A_503, %min3A_487 : vector<256x128xf32>
    %min3A_506 = arith.minimumf %max3A_505, %min3A_489 : vector<256x128xf32>
    %max3A_507 = arith.maximumf %max3A_505, %min3A_489 : vector<256x128xf32>
    %min3A_508 = arith.minimumf %max3A_507, %min3A_491 : vector<256x128xf32>
    %slice3A_509 = vector.extract_strided_slice %add3A_48 {offsets = [0, 3456], sizes = [256, 128], strides = [1, 1]} : vector<256x10240xf32> to vector<256x128xf32>
    %max3A_510 = arith.constant 1.000000e-30 : f32
    %max3A_511 = vector.broadcast %max3A_510 : f32 to vector<256x128xf32>
    %max3A_512 = arith.maximumf %slice3A_509, %max3A_511 : vector<256x128xf32>
    %bitcast_convert_type3A_513 = tpu.bitcast %max3A_512 : vector<256x128xf32> -> vector<256x128xi32>
    %and3A_514 = arith.constant -128 : i32
    %and3A_515 = vector.broadcast %and3A_514 : i32 to vector<256x128xi32>
    %and3A_516 = arith.andi %bitcast_convert_type3A_513, %and3A_515 : vector<256x128xi32>
    %or3A_517 = arith.constant 27 : i32
    %or3A_518 = vector.broadcast %or3A_517 : i32 to vector<256x128xi32>
    %or3A_519 = arith.ori %and3A_516, %or3A_518 : vector<256x128xi32>
    %bitcast_convert_type3A_520 = tpu.bitcast %or3A_519 : vector<256x128xi32> -> vector<256x128xf32>
    %min3A_521 = arith.minimumf %bitcast_convert_type3A_520, %min3A_504 : vector<256x128xf32>
    %max3A_522 = arith.maximumf %bitcast_convert_type3A_520, %min3A_504 : vector<256x128xf32>
    %min3A_523 = arith.minimumf %max3A_522, %min3A_506 : vector<256x128xf32>
    %max3A_524 = arith.maximumf %max3A_522, %min3A_506 : vector<256x128xf32>
    %min3A_525 = arith.minimumf %max3A_524, %min3A_508 : vector<256x128xf32>
    %slice3A_526 = vector.extract_strided_slice %add3A_48 {offsets = [0, 3584], sizes = [256, 128], strides = [1, 1]} : vector<256x10240xf32> to vector<256x128xf32>
    %max3A_527 = arith.constant 1.000000e-30 : f32
    %max3A_528 = vector.broadcast %max3A_527 : f32 to vector<256x128xf32>
    %max3A_529 = arith.maximumf %slice3A_526, %max3A_528 : vector<256x128xf32>
    %bitcast_convert_type3A_530 = tpu.bitcast %max3A_529 : vector<256x128xf32> -> vector<256x128xi32>
    %and3A_531 = arith.constant -128 : i32
    %and3A_532 = vector.broadcast %and3A_531 : i32 to vector<256x128xi32>
    %and3A_533 = arith.andi %bitcast_convert_type3A_530, %and3A_532 : vector<256x128xi32>
    %or3A_534 = arith.constant 28 : i32
    %or3A_535 = vector.broadcast %or3A_534 : i32 to vector<256x128xi32>
    %or3A_536 = arith.ori %and3A_533, %or3A_535 : vector<256x128xi32>
    %bitcast_convert_type3A_537 = tpu.bitcast %or3A_536 : vector<256x128xi32> -> vector<256x128xf32>
    %min3A_538 = arith.minimumf %bitcast_convert_type3A_537, %min3A_521 : vector<256x128xf32>
    %max3A_539 = arith.maximumf %bitcast_convert_type3A_537, %min3A_521 : vector<256x128xf32>
    %min3A_540 = arith.minimumf %max3A_539, %min3A_523 : vector<256x128xf32>
    %max3A_541 = arith.maximumf %max3A_539, %min3A_523 : vector<256x128xf32>
    %min3A_542 = arith.minimumf %max3A_541, %min3A_525 : vector<256x128xf32>
    %slice3A_543 = vector.extract_strided_slice %add3A_48 {offsets = [0, 3712], sizes = [256, 128], strides = [1, 1]} : vector<256x10240xf32> to vector<256x128xf32>
    %max3A_544 = arith.constant 1.000000e-30 : f32
    %max3A_545 = vector.broadcast %max3A_544 : f32 to vector<256x128xf32>
    %max3A_546 = arith.maximumf %slice3A_543, %max3A_545 : vector<256x128xf32>
    %bitcast_convert_type3A_547 = tpu.bitcast %max3A_546 : vector<256x128xf32> -> vector<256x128xi32>
    %and3A_548 = arith.constant -128 : i32
    %and3A_549 = vector.broadcast %and3A_548 : i32 to vector<256x128xi32>
    %and3A_550 = arith.andi %bitcast_convert_type3A_547, %and3A_549 : vector<256x128xi32>
    %or3A_551 = arith.constant 29 : i32
    %or3A_552 = vector.broadcast %or3A_551 : i32 to vector<256x128xi32>
    %or3A_553 = arith.ori %and3A_550, %or3A_552 : vector<256x128xi32>
    %bitcast_convert_type3A_554 = tpu.bitcast %or3A_553 : vector<256x128xi32> -> vector<256x128xf32>
    %min3A_555 = arith.minimumf %bitcast_convert_type3A_554, %min3A_538 : vector<256x128xf32>
    %max3A_556 = arith.maximumf %bitcast_convert_type3A_554, %min3A_538 : vector<256x128xf32>
    %min3A_557 = arith.minimumf %max3A_556, %min3A_540 : vector<256x128xf32>
    %max3A_558 = arith.maximumf %max3A_556, %min3A_540 : vector<256x128xf32>
    %min3A_559 = arith.minimumf %max3A_558, %min3A_542 : vector<256x128xf32>
    %slice3A_560 = vector.extract_strided_slice %add3A_48 {offsets = [0, 3840], sizes = [256, 128], strides = [1, 1]} : vector<256x10240xf32> to vector<256x128xf32>
    %max3A_561 = arith.constant 1.000000e-30 : f32
    %max3A_562 = vector.broadcast %max3A_561 : f32 to vector<256x128xf32>
    %max3A_563 = arith.maximumf %slice3A_560, %max3A_562 : vector<256x128xf32>
    %bitcast_convert_type3A_564 = tpu.bitcast %max3A_563 : vector<256x128xf32> -> vector<256x128xi32>
    %and3A_565 = arith.constant -128 : i32
    %and3A_566 = vector.broadcast %and3A_565 : i32 to vector<256x128xi32>
    %and3A_567 = arith.andi %bitcast_convert_type3A_564, %and3A_566 : vector<256x128xi32>
    %or3A_568 = arith.constant 30 : i32
    %or3A_569 = vector.broadcast %or3A_568 : i32 to vector<256x128xi32>
    %or3A_570 = arith.ori %and3A_567, %or3A_569 : vector<256x128xi32>
    %bitcast_convert_type3A_571 = tpu.bitcast %or3A_570 : vector<256x128xi32> -> vector<256x128xf32>
    %min3A_572 = arith.minimumf %bitcast_convert_type3A_571, %min3A_555 : vector<256x128xf32>
    %max3A_573 = arith.maximumf %bitcast_convert_type3A_571, %min3A_555 : vector<256x128xf32>
    %min3A_574 = arith.minimumf %max3A_573, %min3A_557 : vector<256x128xf32>
    %max3A_575 = arith.maximumf %max3A_573, %min3A_557 : vector<256x128xf32>
    %min3A_576 = arith.minimumf %max3A_575, %min3A_559 : vector<256x128xf32>
    %slice3A_577 = vector.extract_strided_slice %add3A_48 {offsets = [0, 3968], sizes = [256, 128], strides = [1, 1]} : vector<256x10240xf32> to vector<256x128xf32>
    %max3A_578 = arith.constant 1.000000e-30 : f32
    %max3A_579 = vector.broadcast %max3A_578 : f32 to vector<256x128xf32>
    %max3A_580 = arith.maximumf %slice3A_577, %max3A_579 : vector<256x128xf32>
    %bitcast_convert_type3A_581 = tpu.bitcast %max3A_580 : vector<256x128xf32> -> vector<256x128xi32>
    %and3A_582 = arith.constant -128 : i32
    %and3A_583 = vector.broadcast %and3A_582 : i32 to vector<256x128xi32>
    %and3A_584 = arith.andi %bitcast_convert_type3A_581, %and3A_583 : vector<256x128xi32>
    %or3A_585 = arith.constant 31 : i32
    %or3A_586 = vector.broadcast %or3A_585 : i32 to vector<256x128xi32>
    %or3A_587 = arith.ori %and3A_584, %or3A_586 : vector<256x128xi32>
    %bitcast_convert_type3A_588 = tpu.bitcast %or3A_587 : vector<256x128xi32> -> vector<256x128xf32>
    %min3A_589 = arith.minimumf %bitcast_convert_type3A_588, %min3A_572 : vector<256x128xf32>
    %max3A_590 = arith.maximumf %bitcast_convert_type3A_588, %min3A_572 : vector<256x128xf32>
    %min3A_591 = arith.minimumf %max3A_590, %min3A_574 : vector<256x128xf32>
    %max3A_592 = arith.maximumf %max3A_590, %min3A_574 : vector<256x128xf32>
    %min3A_593 = arith.minimumf %max3A_592, %min3A_576 : vector<256x128xf32>
    %slice3A_594 = vector.extract_strided_slice %add3A_48 {offsets = [0, 4096], sizes = [256, 128], strides = [1, 1]} : vector<256x10240xf32> to vector<256x128xf32>
    %max3A_595 = arith.constant 1.000000e-30 : f32
    %max3A_596 = vector.broadcast %max3A_595 : f32 to vector<256x128xf32>
    %max3A_597 = arith.maximumf %slice3A_594, %max3A_596 : vector<256x128xf32>
    %bitcast_convert_type3A_598 = tpu.bitcast %max3A_597 : vector<256x128xf32> -> vector<256x128xi32>
    %and3A_599 = arith.constant -128 : i32
    %and3A_600 = vector.broadcast %and3A_599 : i32 to vector<256x128xi32>
    %and3A_601 = arith.andi %bitcast_convert_type3A_598, %and3A_600 : vector<256x128xi32>
    %or3A_602 = arith.constant 32 : i32
    %or3A_603 = vector.broadcast %or3A_602 : i32 to vector<256x128xi32>
    %or3A_604 = arith.ori %and3A_601, %or3A_603 : vector<256x128xi32>
    %bitcast_convert_type3A_605 = tpu.bitcast %or3A_604 : vector<256x128xi32> -> vector<256x128xf32>
    %min3A_606 = arith.minimumf %bitcast_convert_type3A_605, %min3A_589 : vector<256x128xf32>
    %max3A_607 = arith.maximumf %bitcast_convert_type3A_605, %min3A_589 : vector<256x128xf32>
    %min3A_608 = arith.minimumf %max3A_607, %min3A_591 : vector<256x128xf32>
    %max3A_609 = arith.maximumf %max3A_607, %min3A_591 : vector<256x128xf32>
    %min3A_610 = arith.minimumf %max3A_609, %min3A_593 : vector<256x128xf32>
    %slice3A_611 = vector.extract_strided_slice %add3A_48 {offsets = [0, 4224], sizes = [256, 128], strides = [1, 1]} : vector<256x10240xf32> to vector<256x128xf32>
    %max3A_612 = arith.constant 1.000000e-30 : f32
    %max3A_613 = vector.broadcast %max3A_612 : f32 to vector<256x128xf32>
    %max3A_614 = arith.maximumf %slice3A_611, %max3A_613 : vector<256x128xf32>
    %bitcast_convert_type3A_615 = tpu.bitcast %max3A_614 : vector<256x128xf32> -> vector<256x128xi32>
    %and3A_616 = arith.constant -128 : i32
    %and3A_617 = vector.broadcast %and3A_616 : i32 to vector<256x128xi32>
    %and3A_618 = arith.andi %bitcast_convert_type3A_615, %and3A_617 : vector<256x128xi32>
    %or3A_619 = arith.constant 33 : i32
    %or3A_620 = vector.broadcast %or3A_619 : i32 to vector<256x128xi32>
    %or3A_621 = arith.ori %and3A_618, %or3A_620 : vector<256x128xi32>
    %bitcast_convert_type3A_622 = tpu.bitcast %or3A_621 : vector<256x128xi32> -> vector<256x128xf32>
    %min3A_623 = arith.minimumf %bitcast_convert_type3A_622, %min3A_606 : vector<256x128xf32>
    %max3A_624 = arith.maximumf %bitcast_convert_type3A_622, %min3A_606 : vector<256x128xf32>
    %min3A_625 = arith.minimumf %max3A_624, %min3A_608 : vector<256x128xf32>
    %max3A_626 = arith.maximumf %max3A_624, %min3A_608 : vector<256x128xf32>
    %min3A_627 = arith.minimumf %max3A_626, %min3A_610 : vector<256x128xf32>
    %slice3A_628 = vector.extract_strided_slice %add3A_48 {offsets = [0, 4352], sizes = [256, 128], strides = [1, 1]} : vector<256x10240xf32> to vector<256x128xf32>
    %max3A_629 = arith.constant 1.000000e-30 : f32
    %max3A_630 = vector.broadcast %max3A_629 : f32 to vector<256x128xf32>
    %max3A_631 = arith.maximumf %slice3A_628, %max3A_630 : vector<256x128xf32>
    %bitcast_convert_type3A_632 = tpu.bitcast %max3A_631 : vector<256x128xf32> -> vector<256x128xi32>
    %and3A_633 = arith.constant -128 : i32
    %and3A_634 = vector.broadcast %and3A_633 : i32 to vector<256x128xi32>
    %and3A_635 = arith.andi %bitcast_convert_type3A_632, %and3A_634 : vector<256x128xi32>
    %or3A_636 = arith.constant 34 : i32
    %or3A_637 = vector.broadcast %or3A_636 : i32 to vector<256x128xi32>
    %or3A_638 = arith.ori %and3A_635, %or3A_637 : vector<256x128xi32>
    %bitcast_convert_type3A_639 = tpu.bitcast %or3A_638 : vector<256x128xi32> -> vector<256x128xf32>
    %min3A_640 = arith.minimumf %bitcast_convert_type3A_639, %min3A_623 : vector<256x128xf32>
    %max3A_641 = arith.maximumf %bitcast_convert_type3A_639, %min3A_623 : vector<256x128xf32>
    %min3A_642 = arith.minimumf %max3A_641, %min3A_625 : vector<256x128xf32>
    %max3A_643 = arith.maximumf %max3A_641, %min3A_625 : vector<256x128xf32>
    %min3A_644 = arith.minimumf %max3A_643, %min3A_627 : vector<256x128xf32>
    %slice3A_645 = vector.extract_strided_slice %add3A_48 {offsets = [0, 4480], sizes = [256, 128], strides = [1, 1]} : vector<256x10240xf32> to vector<256x128xf32>
    %max3A_646 = arith.constant 1.000000e-30 : f32
    %max3A_647 = vector.broadcast %max3A_646 : f32 to vector<256x128xf32>
    %max3A_648 = arith.maximumf %slice3A_645, %max3A_647 : vector<256x128xf32>
    %bitcast_convert_type3A_649 = tpu.bitcast %max3A_648 : vector<256x128xf32> -> vector<256x128xi32>
    %and3A_650 = arith.constant -128 : i32
    %and3A_651 = vector.broadcast %and3A_650 : i32 to vector<256x128xi32>
    %and3A_652 = arith.andi %bitcast_convert_type3A_649, %and3A_651 : vector<256x128xi32>
    %or3A_653 = arith.constant 35 : i32
    %or3A_654 = vector.broadcast %or3A_653 : i32 to vector<256x128xi32>
    %or3A_655 = arith.ori %and3A_652, %or3A_654 : vector<256x128xi32>
    %bitcast_convert_type3A_656 = tpu.bitcast %or3A_655 : vector<256x128xi32> -> vector<256x128xf32>
    %min3A_657 = arith.minimumf %bitcast_convert_type3A_656, %min3A_640 : vector<256x128xf32>
    %max3A_658 = arith.maximumf %bitcast_convert_type3A_656, %min3A_640 : vector<256x128xf32>
    %min3A_659 = arith.minimumf %max3A_658, %min3A_642 : vector<256x128xf32>
    %max3A_660 = arith.maximumf %max3A_658, %min3A_642 : vector<256x128xf32>
    %min3A_661 = arith.minimumf %max3A_660, %min3A_644 : vector<256x128xf32>
    %slice3A_662 = vector.extract_strided_slice %add3A_48 {offsets = [0, 4608], sizes = [256, 128], strides = [1, 1]} : vector<256x10240xf32> to vector<256x128xf32>
    %max3A_663 = arith.constant 1.000000e-30 : f32
    %max3A_664 = vector.broadcast %max3A_663 : f32 to vector<256x128xf32>
    %max3A_665 = arith.maximumf %slice3A_662, %max3A_664 : vector<256x128xf32>
    %bitcast_convert_type3A_666 = tpu.bitcast %max3A_665 : vector<256x128xf32> -> vector<256x128xi32>
    %and3A_667 = arith.constant -128 : i32
    %and3A_668 = vector.broadcast %and3A_667 : i32 to vector<256x128xi32>
    %and3A_669 = arith.andi %bitcast_convert_type3A_666, %and3A_668 : vector<256x128xi32>
    %or3A_670 = arith.constant 36 : i32
    %or3A_671 = vector.broadcast %or3A_670 : i32 to vector<256x128xi32>
    %or3A_672 = arith.ori %and3A_669, %or3A_671 : vector<256x128xi32>
    %bitcast_convert_type3A_673 = tpu.bitcast %or3A_672 : vector<256x128xi32> -> vector<256x128xf32>
    %min3A_674 = arith.minimumf %bitcast_convert_type3A_673, %min3A_657 : vector<256x128xf32>
    %max3A_675 = arith.maximumf %bitcast_convert_type3A_673, %min3A_657 : vector<256x128xf32>
    %min3A_676 = arith.minimumf %max3A_675, %min3A_659 : vector<256x128xf32>
    %max3A_677 = arith.maximumf %max3A_675, %min3A_659 : vector<256x128xf32>
    %min3A_678 = arith.minimumf %max3A_677, %min3A_661 : vector<256x128xf32>
    %slice3A_679 = vector.extract_strided_slice %add3A_48 {offsets = [0, 4736], sizes = [256, 128], strides = [1, 1]} : vector<256x10240xf32> to vector<256x128xf32>
    %max3A_680 = arith.constant 1.000000e-30 : f32
    %max3A_681 = vector.broadcast %max3A_680 : f32 to vector<256x128xf32>
    %max3A_682 = arith.maximumf %slice3A_679, %max3A_681 : vector<256x128xf32>
    %bitcast_convert_type3A_683 = tpu.bitcast %max3A_682 : vector<256x128xf32> -> vector<256x128xi32>
    %and3A_684 = arith.constant -128 : i32
    %and3A_685 = vector.broadcast %and3A_684 : i32 to vector<256x128xi32>
    %and3A_686 = arith.andi %bitcast_convert_type3A_683, %and3A_685 : vector<256x128xi32>
    %or3A_687 = arith.constant 37 : i32
    %or3A_688 = vector.broadcast %or3A_687 : i32 to vector<256x128xi32>
    %or3A_689 = arith.ori %and3A_686, %or3A_688 : vector<256x128xi32>
    %bitcast_convert_type3A_690 = tpu.bitcast %or3A_689 : vector<256x128xi32> -> vector<256x128xf32>
    %min3A_691 = arith.minimumf %bitcast_convert_type3A_690, %min3A_674 : vector<256x128xf32>
    %max3A_692 = arith.maximumf %bitcast_convert_type3A_690, %min3A_674 : vector<256x128xf32>
    %min3A_693 = arith.minimumf %max3A_692, %min3A_676 : vector<256x128xf32>
    %max3A_694 = arith.maximumf %max3A_692, %min3A_676 : vector<256x128xf32>
    %min3A_695 = arith.minimumf %max3A_694, %min3A_678 : vector<256x128xf32>
    %slice3A_696 = vector.extract_strided_slice %add3A_48 {offsets = [0, 4864], sizes = [256, 128], strides = [1, 1]} : vector<256x10240xf32> to vector<256x128xf32>
    %max3A_697 = arith.constant 1.000000e-30 : f32
    %max3A_698 = vector.broadcast %max3A_697 : f32 to vector<256x128xf32>
    %max3A_699 = arith.maximumf %slice3A_696, %max3A_698 : vector<256x128xf32>
    %bitcast_convert_type3A_700 = tpu.bitcast %max3A_699 : vector<256x128xf32> -> vector<256x128xi32>
    %and3A_701 = arith.constant -128 : i32
    %and3A_702 = vector.broadcast %and3A_701 : i32 to vector<256x128xi32>
    %and3A_703 = arith.andi %bitcast_convert_type3A_700, %and3A_702 : vector<256x128xi32>
    %or3A_704 = arith.constant 38 : i32
    %or3A_705 = vector.broadcast %or3A_704 : i32 to vector<256x128xi32>
    %or3A_706 = arith.ori %and3A_703, %or3A_705 : vector<256x128xi32>
    %bitcast_convert_type3A_707 = tpu.bitcast %or3A_706 : vector<256x128xi32> -> vector<256x128xf32>
    %min3A_708 = arith.minimumf %bitcast_convert_type3A_707, %min3A_691 : vector<256x128xf32>
    %max3A_709 = arith.maximumf %bitcast_convert_type3A_707, %min3A_691 : vector<256x128xf32>
    %min3A_710 = arith.minimumf %max3A_709, %min3A_693 : vector<256x128xf32>
    %max3A_711 = arith.maximumf %max3A_709, %min3A_693 : vector<256x128xf32>
    %min3A_712 = arith.minimumf %max3A_711, %min3A_695 : vector<256x128xf32>
    %slice3A_713 = vector.extract_strided_slice %add3A_48 {offsets = [0, 4992], sizes = [256, 128], strides = [1, 1]} : vector<256x10240xf32> to vector<256x128xf32>
    %max3A_714 = arith.constant 1.000000e-30 : f32
    %max3A_715 = vector.broadcast %max3A_714 : f32 to vector<256x128xf32>
    %max3A_716 = arith.maximumf %slice3A_713, %max3A_715 : vector<256x128xf32>
    %bitcast_convert_type3A_717 = tpu.bitcast %max3A_716 : vector<256x128xf32> -> vector<256x128xi32>
    %and3A_718 = arith.constant -128 : i32
    %and3A_719 = vector.broadcast %and3A_718 : i32 to vector<256x128xi32>
    %and3A_720 = arith.andi %bitcast_convert_type3A_717, %and3A_719 : vector<256x128xi32>
    %or3A_721 = arith.constant 39 : i32
    %or3A_722 = vector.broadcast %or3A_721 : i32 to vector<256x128xi32>
    %or3A_723 = arith.ori %and3A_720, %or3A_722 : vector<256x128xi32>
    %bitcast_convert_type3A_724 = tpu.bitcast %or3A_723 : vector<256x128xi32> -> vector<256x128xf32>
    %min3A_725 = arith.minimumf %bitcast_convert_type3A_724, %min3A_708 : vector<256x128xf32>
    %max3A_726 = arith.maximumf %bitcast_convert_type3A_724, %min3A_708 : vector<256x128xf32>
    %min3A_727 = arith.minimumf %max3A_726, %min3A_710 : vector<256x128xf32>
    %max3A_728 = arith.maximumf %max3A_726, %min3A_710 : vector<256x128xf32>
    %min3A_729 = arith.minimumf %max3A_728, %min3A_712 : vector<256x128xf32>
    %slice3A_730 = vector.extract_strided_slice %add3A_48 {offsets = [0, 5120], sizes = [256, 128], strides = [1, 1]} : vector<256x10240xf32> to vector<256x128xf32>
    %max3A_731 = arith.constant 1.000000e-30 : f32
    %max3A_732 = vector.broadcast %max3A_731 : f32 to vector<256x128xf32>
    %max3A_733 = arith.maximumf %slice3A_730, %max3A_732 : vector<256x128xf32>
    %bitcast_convert_type3A_734 = tpu.bitcast %max3A_733 : vector<256x128xf32> -> vector<256x128xi32>
    %and3A_735 = arith.constant -128 : i32
    %and3A_736 = vector.broadcast %and3A_735 : i32 to vector<256x128xi32>
    %and3A_737 = arith.andi %bitcast_convert_type3A_734, %and3A_736 : vector<256x128xi32>
    %or3A_738 = arith.constant 40 : i32
    %or3A_739 = vector.broadcast %or3A_738 : i32 to vector<256x128xi32>
    %or3A_740 = arith.ori %and3A_737, %or3A_739 : vector<256x128xi32>
    %bitcast_convert_type3A_741 = tpu.bitcast %or3A_740 : vector<256x128xi32> -> vector<256x128xf32>
    %min3A_742 = arith.minimumf %bitcast_convert_type3A_741, %min3A_725 : vector<256x128xf32>
    %max3A_743 = arith.maximumf %bitcast_convert_type3A_741, %min3A_725 : vector<256x128xf32>
    %min3A_744 = arith.minimumf %max3A_743, %min3A_727 : vector<256x128xf32>
    %max3A_745 = arith.maximumf %max3A_743, %min3A_727 : vector<256x128xf32>
    %min3A_746 = arith.minimumf %max3A_745, %min3A_729 : vector<256x128xf32>
    %slice3A_747 = vector.extract_strided_slice %add3A_48 {offsets = [0, 5248], sizes = [256, 128], strides = [1, 1]} : vector<256x10240xf32> to vector<256x128xf32>
    %max3A_748 = arith.constant 1.000000e-30 : f32
    %max3A_749 = vector.broadcast %max3A_748 : f32 to vector<256x128xf32>
    %max3A_750 = arith.maximumf %slice3A_747, %max3A_749 : vector<256x128xf32>
    %bitcast_convert_type3A_751 = tpu.bitcast %max3A_750 : vector<256x128xf32> -> vector<256x128xi32>
    %and3A_752 = arith.constant -128 : i32
    %and3A_753 = vector.broadcast %and3A_752 : i32 to vector<256x128xi32>
    %and3A_754 = arith.andi %bitcast_convert_type3A_751, %and3A_753 : vector<256x128xi32>
    %or3A_755 = arith.constant 41 : i32
    %or3A_756 = vector.broadcast %or3A_755 : i32 to vector<256x128xi32>
    %or3A_757 = arith.ori %and3A_754, %or3A_756 : vector<256x128xi32>
    %bitcast_convert_type3A_758 = tpu.bitcast %or3A_757 : vector<256x128xi32> -> vector<256x128xf32>
    %min3A_759 = arith.minimumf %bitcast_convert_type3A_758, %min3A_742 : vector<256x128xf32>
    %max3A_760 = arith.maximumf %bitcast_convert_type3A_758, %min3A_742 : vector<256x128xf32>
    %min3A_761 = arith.minimumf %max3A_760, %min3A_744 : vector<256x128xf32>
    %max3A_762 = arith.maximumf %max3A_760, %min3A_744 : vector<256x128xf32>
    %min3A_763 = arith.minimumf %max3A_762, %min3A_746 : vector<256x128xf32>
    %slice3A_764 = vector.extract_strided_slice %add3A_48 {offsets = [0, 5376], sizes = [256, 128], strides = [1, 1]} : vector<256x10240xf32> to vector<256x128xf32>
    %max3A_765 = arith.constant 1.000000e-30 : f32
    %max3A_766 = vector.broadcast %max3A_765 : f32 to vector<256x128xf32>
    %max3A_767 = arith.maximumf %slice3A_764, %max3A_766 : vector<256x128xf32>
    %bitcast_convert_type3A_768 = tpu.bitcast %max3A_767 : vector<256x128xf32> -> vector<256x128xi32>
    %and3A_769 = arith.constant -128 : i32
    %and3A_770 = vector.broadcast %and3A_769 : i32 to vector<256x128xi32>
    %and3A_771 = arith.andi %bitcast_convert_type3A_768, %and3A_770 : vector<256x128xi32>
    %or3A_772 = arith.constant 42 : i32
    %or3A_773 = vector.broadcast %or3A_772 : i32 to vector<256x128xi32>
    %or3A_774 = arith.ori %and3A_771, %or3A_773 : vector<256x128xi32>
    %bitcast_convert_type3A_775 = tpu.bitcast %or3A_774 : vector<256x128xi32> -> vector<256x128xf32>
    %min3A_776 = arith.minimumf %bitcast_convert_type3A_775, %min3A_759 : vector<256x128xf32>
    %max3A_777 = arith.maximumf %bitcast_convert_type3A_775, %min3A_759 : vector<256x128xf32>
    %min3A_778 = arith.minimumf %max3A_777, %min3A_761 : vector<256x128xf32>
    %max3A_779 = arith.maximumf %max3A_777, %min3A_761 : vector<256x128xf32>
    %min3A_780 = arith.minimumf %max3A_779, %min3A_763 : vector<256x128xf32>
    %slice3A_781 = vector.extract_strided_slice %add3A_48 {offsets = [0, 5504], sizes = [256, 128], strides = [1, 1]} : vector<256x10240xf32> to vector<256x128xf32>
    %max3A_782 = arith.constant 1.000000e-30 : f32
    %max3A_783 = vector.broadcast %max3A_782 : f32 to vector<256x128xf32>
    %max3A_784 = arith.maximumf %slice3A_781, %max3A_783 : vector<256x128xf32>
    %bitcast_convert_type3A_785 = tpu.bitcast %max3A_784 : vector<256x128xf32> -> vector<256x128xi32>
    %and3A_786 = arith.constant -128 : i32
    %and3A_787 = vector.broadcast %and3A_786 : i32 to vector<256x128xi32>
    %and3A_788 = arith.andi %bitcast_convert_type3A_785, %and3A_787 : vector<256x128xi32>
    %or3A_789 = arith.constant 43 : i32
    %or3A_790 = vector.broadcast %or3A_789 : i32 to vector<256x128xi32>
    %or3A_791 = arith.ori %and3A_788, %or3A_790 : vector<256x128xi32>
    %bitcast_convert_type3A_792 = tpu.bitcast %or3A_791 : vector<256x128xi32> -> vector<256x128xf32>
    %min3A_793 = arith.minimumf %bitcast_convert_type3A_792, %min3A_776 : vector<256x128xf32>
    %max3A_794 = arith.maximumf %bitcast_convert_type3A_792, %min3A_776 : vector<256x128xf32>
    %min3A_795 = arith.minimumf %max3A_794, %min3A_778 : vector<256x128xf32>
    %max3A_796 = arith.maximumf %max3A_794, %min3A_778 : vector<256x128xf32>
    %min3A_797 = arith.minimumf %max3A_796, %min3A_780 : vector<256x128xf32>
    %slice3A_798 = vector.extract_strided_slice %add3A_48 {offsets = [0, 5632], sizes = [256, 128], strides = [1, 1]} : vector<256x10240xf32> to vector<256x128xf32>
    %max3A_799 = arith.constant 1.000000e-30 : f32
    %max3A_800 = vector.broadcast %max3A_799 : f32 to vector<256x128xf32>
    %max3A_801 = arith.maximumf %slice3A_798, %max3A_800 : vector<256x128xf32>
    %bitcast_convert_type3A_802 = tpu.bitcast %max3A_801 : vector<256x128xf32> -> vector<256x128xi32>
    %and3A_803 = arith.constant -128 : i32
    %and3A_804 = vector.broadcast %and3A_803 : i32 to vector<256x128xi32>
    %and3A_805 = arith.andi %bitcast_convert_type3A_802, %and3A_804 : vector<256x128xi32>
    %or3A_806 = arith.constant 44 : i32
    %or3A_807 = vector.broadcast %or3A_806 : i32 to vector<256x128xi32>
    %or3A_808 = arith.ori %and3A_805, %or3A_807 : vector<256x128xi32>
    %bitcast_convert_type3A_809 = tpu.bitcast %or3A_808 : vector<256x128xi32> -> vector<256x128xf32>
    %min3A_810 = arith.minimumf %bitcast_convert_type3A_809, %min3A_793 : vector<256x128xf32>
    %max3A_811 = arith.maximumf %bitcast_convert_type3A_809, %min3A_793 : vector<256x128xf32>
    %min3A_812 = arith.minimumf %max3A_811, %min3A_795 : vector<256x128xf32>
    %max3A_813 = arith.maximumf %max3A_811, %min3A_795 : vector<256x128xf32>
    %min3A_814 = arith.minimumf %max3A_813, %min3A_797 : vector<256x128xf32>
    %slice3A_815 = vector.extract_strided_slice %add3A_48 {offsets = [0, 5760], sizes = [256, 128], strides = [1, 1]} : vector<256x10240xf32> to vector<256x128xf32>
    %max3A_816 = arith.constant 1.000000e-30 : f32
    %max3A_817 = vector.broadcast %max3A_816 : f32 to vector<256x128xf32>
    %max3A_818 = arith.maximumf %slice3A_815, %max3A_817 : vector<256x128xf32>
    %bitcast_convert_type3A_819 = tpu.bitcast %max3A_818 : vector<256x128xf32> -> vector<256x128xi32>
    %and3A_820 = arith.constant -128 : i32
    %and3A_821 = vector.broadcast %and3A_820 : i32 to vector<256x128xi32>
    %and3A_822 = arith.andi %bitcast_convert_type3A_819, %and3A_821 : vector<256x128xi32>
    %or3A_823 = arith.constant 45 : i32
    %or3A_824 = vector.broadcast %or3A_823 : i32 to vector<256x128xi32>
    %or3A_825 = arith.ori %and3A_822, %or3A_824 : vector<256x128xi32>
    %bitcast_convert_type3A_826 = tpu.bitcast %or3A_825 : vector<256x128xi32> -> vector<256x128xf32>
    %min3A_827 = arith.minimumf %bitcast_convert_type3A_826, %min3A_810 : vector<256x128xf32>
    %max3A_828 = arith.maximumf %bitcast_convert_type3A_826, %min3A_810 : vector<256x128xf32>
    %min3A_829 = arith.minimumf %max3A_828, %min3A_812 : vector<256x128xf32>
    %max3A_830 = arith.maximumf %max3A_828, %min3A_812 : vector<256x128xf32>
    %min3A_831 = arith.minimumf %max3A_830, %min3A_814 : vector<256x128xf32>
    %slice3A_832 = vector.extract_strided_slice %add3A_48 {offsets = [0, 5888], sizes = [256, 128], strides = [1, 1]} : vector<256x10240xf32> to vector<256x128xf32>
    %max3A_833 = arith.constant 1.000000e-30 : f32
    %max3A_834 = vector.broadcast %max3A_833 : f32 to vector<256x128xf32>
    %max3A_835 = arith.maximumf %slice3A_832, %max3A_834 : vector<256x128xf32>
    %bitcast_convert_type3A_836 = tpu.bitcast %max3A_835 : vector<256x128xf32> -> vector<256x128xi32>
    %and3A_837 = arith.constant -128 : i32
    %and3A_838 = vector.broadcast %and3A_837 : i32 to vector<256x128xi32>
    %and3A_839 = arith.andi %bitcast_convert_type3A_836, %and3A_838 : vector<256x128xi32>
    %or3A_840 = arith.constant 46 : i32
    %or3A_841 = vector.broadcast %or3A_840 : i32 to vector<256x128xi32>
    %or3A_842 = arith.ori %and3A_839, %or3A_841 : vector<256x128xi32>
    %bitcast_convert_type3A_843 = tpu.bitcast %or3A_842 : vector<256x128xi32> -> vector<256x128xf32>
    %min3A_844 = arith.minimumf %bitcast_convert_type3A_843, %min3A_827 : vector<256x128xf32>
    %max3A_845 = arith.maximumf %bitcast_convert_type3A_843, %min3A_827 : vector<256x128xf32>
    %min3A_846 = arith.minimumf %max3A_845, %min3A_829 : vector<256x128xf32>
    %max3A_847 = arith.maximumf %max3A_845, %min3A_829 : vector<256x128xf32>
    %min3A_848 = arith.minimumf %max3A_847, %min3A_831 : vector<256x128xf32>
    %slice3A_849 = vector.extract_strided_slice %add3A_48 {offsets = [0, 6016], sizes = [256, 128], strides = [1, 1]} : vector<256x10240xf32> to vector<256x128xf32>
    %max3A_850 = arith.constant 1.000000e-30 : f32
    %max3A_851 = vector.broadcast %max3A_850 : f32 to vector<256x128xf32>
    %max3A_852 = arith.maximumf %slice3A_849, %max3A_851 : vector<256x128xf32>
    %bitcast_convert_type3A_853 = tpu.bitcast %max3A_852 : vector<256x128xf32> -> vector<256x128xi32>
    %and3A_854 = arith.constant -128 : i32
    %and3A_855 = vector.broadcast %and3A_854 : i32 to vector<256x128xi32>
    %and3A_856 = arith.andi %bitcast_convert_type3A_853, %and3A_855 : vector<256x128xi32>
    %or3A_857 = arith.constant 47 : i32
    %or3A_858 = vector.broadcast %or3A_857 : i32 to vector<256x128xi32>
    %or3A_859 = arith.ori %and3A_856, %or3A_858 : vector<256x128xi32>
    %bitcast_convert_type3A_860 = tpu.bitcast %or3A_859 : vector<256x128xi32> -> vector<256x128xf32>
    %min3A_861 = arith.minimumf %bitcast_convert_type3A_860, %min3A_844 : vector<256x128xf32>
    %max3A_862 = arith.maximumf %bitcast_convert_type3A_860, %min3A_844 : vector<256x128xf32>
    %min3A_863 = arith.minimumf %max3A_862, %min3A_846 : vector<256x128xf32>
    %max3A_864 = arith.maximumf %max3A_862, %min3A_846 : vector<256x128xf32>
    %min3A_865 = arith.minimumf %max3A_864, %min3A_848 : vector<256x128xf32>
    %slice3A_866 = vector.extract_strided_slice %add3A_48 {offsets = [0, 6144], sizes = [256, 128], strides = [1, 1]} : vector<256x10240xf32> to vector<256x128xf32>
    %max3A_867 = arith.constant 1.000000e-30 : f32
    %max3A_868 = vector.broadcast %max3A_867 : f32 to vector<256x128xf32>
    %max3A_869 = arith.maximumf %slice3A_866, %max3A_868 : vector<256x128xf32>
    %bitcast_convert_type3A_870 = tpu.bitcast %max3A_869 : vector<256x128xf32> -> vector<256x128xi32>
    %and3A_871 = arith.constant -128 : i32
    %and3A_872 = vector.broadcast %and3A_871 : i32 to vector<256x128xi32>
    %and3A_873 = arith.andi %bitcast_convert_type3A_870, %and3A_872 : vector<256x128xi32>
    %or3A_874 = arith.constant 48 : i32
    %or3A_875 = vector.broadcast %or3A_874 : i32 to vector<256x128xi32>
    %or3A_876 = arith.ori %and3A_873, %or3A_875 : vector<256x128xi32>
    %bitcast_convert_type3A_877 = tpu.bitcast %or3A_876 : vector<256x128xi32> -> vector<256x128xf32>
    %min3A_878 = arith.minimumf %bitcast_convert_type3A_877, %min3A_861 : vector<256x128xf32>
    %max3A_879 = arith.maximumf %bitcast_convert_type3A_877, %min3A_861 : vector<256x128xf32>
    %min3A_880 = arith.minimumf %max3A_879, %min3A_863 : vector<256x128xf32>
    %max3A_881 = arith.maximumf %max3A_879, %min3A_863 : vector<256x128xf32>
    %min3A_882 = arith.minimumf %max3A_881, %min3A_865 : vector<256x128xf32>
    %slice3A_883 = vector.extract_strided_slice %add3A_48 {offsets = [0, 6272], sizes = [256, 128], strides = [1, 1]} : vector<256x10240xf32> to vector<256x128xf32>
    %max3A_884 = arith.constant 1.000000e-30 : f32
    %max3A_885 = vector.broadcast %max3A_884 : f32 to vector<256x128xf32>
    %max3A_886 = arith.maximumf %slice3A_883, %max3A_885 : vector<256x128xf32>
    %bitcast_convert_type3A_887 = tpu.bitcast %max3A_886 : vector<256x128xf32> -> vector<256x128xi32>
    %and3A_888 = arith.constant -128 : i32
    %and3A_889 = vector.broadcast %and3A_888 : i32 to vector<256x128xi32>
    %and3A_890 = arith.andi %bitcast_convert_type3A_887, %and3A_889 : vector<256x128xi32>
    %or3A_891 = arith.constant 49 : i32
    %or3A_892 = vector.broadcast %or3A_891 : i32 to vector<256x128xi32>
    %or3A_893 = arith.ori %and3A_890, %or3A_892 : vector<256x128xi32>
    %bitcast_convert_type3A_894 = tpu.bitcast %or3A_893 : vector<256x128xi32> -> vector<256x128xf32>
    %min3A_895 = arith.minimumf %bitcast_convert_type3A_894, %min3A_878 : vector<256x128xf32>
    %max3A_896 = arith.maximumf %bitcast_convert_type3A_894, %min3A_878 : vector<256x128xf32>
    %min3A_897 = arith.minimumf %max3A_896, %min3A_880 : vector<256x128xf32>
    %max3A_898 = arith.maximumf %max3A_896, %min3A_880 : vector<256x128xf32>
    %min3A_899 = arith.minimumf %max3A_898, %min3A_882 : vector<256x128xf32>
    %slice3A_900 = vector.extract_strided_slice %add3A_48 {offsets = [0, 6400], sizes = [256, 128], strides = [1, 1]} : vector<256x10240xf32> to vector<256x128xf32>
    %max3A_901 = arith.constant 1.000000e-30 : f32
    %max3A_902 = vector.broadcast %max3A_901 : f32 to vector<256x128xf32>
    %max3A_903 = arith.maximumf %slice3A_900, %max3A_902 : vector<256x128xf32>
    %bitcast_convert_type3A_904 = tpu.bitcast %max3A_903 : vector<256x128xf32> -> vector<256x128xi32>
    %and3A_905 = arith.constant -128 : i32
    %and3A_906 = vector.broadcast %and3A_905 : i32 to vector<256x128xi32>
    %and3A_907 = arith.andi %bitcast_convert_type3A_904, %and3A_906 : vector<256x128xi32>
    %or3A_908 = arith.constant 50 : i32
    %or3A_909 = vector.broadcast %or3A_908 : i32 to vector<256x128xi32>
    %or3A_910 = arith.ori %and3A_907, %or3A_909 : vector<256x128xi32>
    %bitcast_convert_type3A_911 = tpu.bitcast %or3A_910 : vector<256x128xi32> -> vector<256x128xf32>
    %min3A_912 = arith.minimumf %bitcast_convert_type3A_911, %min3A_895 : vector<256x128xf32>
    %max3A_913 = arith.maximumf %bitcast_convert_type3A_911, %min3A_895 : vector<256x128xf32>
    %min3A_914 = arith.minimumf %max3A_913, %min3A_897 : vector<256x128xf32>
    %max3A_915 = arith.maximumf %max3A_913, %min3A_897 : vector<256x128xf32>
    %min3A_916 = arith.minimumf %max3A_915, %min3A_899 : vector<256x128xf32>
    %slice3A_917 = vector.extract_strided_slice %add3A_48 {offsets = [0, 6528], sizes = [256, 128], strides = [1, 1]} : vector<256x10240xf32> to vector<256x128xf32>
    %max3A_918 = arith.constant 1.000000e-30 : f32
    %max3A_919 = vector.broadcast %max3A_918 : f32 to vector<256x128xf32>
    %max3A_920 = arith.maximumf %slice3A_917, %max3A_919 : vector<256x128xf32>
    %bitcast_convert_type3A_921 = tpu.bitcast %max3A_920 : vector<256x128xf32> -> vector<256x128xi32>
    %and3A_922 = arith.constant -128 : i32
    %and3A_923 = vector.broadcast %and3A_922 : i32 to vector<256x128xi32>
    %and3A_924 = arith.andi %bitcast_convert_type3A_921, %and3A_923 : vector<256x128xi32>
    %or3A_925 = arith.constant 51 : i32
    %or3A_926 = vector.broadcast %or3A_925 : i32 to vector<256x128xi32>
    %or3A_927 = arith.ori %and3A_924, %or3A_926 : vector<256x128xi32>
    %bitcast_convert_type3A_928 = tpu.bitcast %or3A_927 : vector<256x128xi32> -> vector<256x128xf32>
    %min3A_929 = arith.minimumf %bitcast_convert_type3A_928, %min3A_912 : vector<256x128xf32>
    %max3A_930 = arith.maximumf %bitcast_convert_type3A_928, %min3A_912 : vector<256x128xf32>
    %min3A_931 = arith.minimumf %max3A_930, %min3A_914 : vector<256x128xf32>
    %max3A_932 = arith.maximumf %max3A_930, %min3A_914 : vector<256x128xf32>
    %min3A_933 = arith.minimumf %max3A_932, %min3A_916 : vector<256x128xf32>
    %slice3A_934 = vector.extract_strided_slice %add3A_48 {offsets = [0, 6656], sizes = [256, 128], strides = [1, 1]} : vector<256x10240xf32> to vector<256x128xf32>
    %max3A_935 = arith.constant 1.000000e-30 : f32
    %max3A_936 = vector.broadcast %max3A_935 : f32 to vector<256x128xf32>
    %max3A_937 = arith.maximumf %slice3A_934, %max3A_936 : vector<256x128xf32>
    %bitcast_convert_type3A_938 = tpu.bitcast %max3A_937 : vector<256x128xf32> -> vector<256x128xi32>
    %and3A_939 = arith.constant -128 : i32
    %and3A_940 = vector.broadcast %and3A_939 : i32 to vector<256x128xi32>
    %and3A_941 = arith.andi %bitcast_convert_type3A_938, %and3A_940 : vector<256x128xi32>
    %or3A_942 = arith.constant 52 : i32
    %or3A_943 = vector.broadcast %or3A_942 : i32 to vector<256x128xi32>
    %or3A_944 = arith.ori %and3A_941, %or3A_943 : vector<256x128xi32>
    %bitcast_convert_type3A_945 = tpu.bitcast %or3A_944 : vector<256x128xi32> -> vector<256x128xf32>
    %min3A_946 = arith.minimumf %bitcast_convert_type3A_945, %min3A_929 : vector<256x128xf32>
    %max3A_947 = arith.maximumf %bitcast_convert_type3A_945, %min3A_929 : vector<256x128xf32>
    %min3A_948 = arith.minimumf %max3A_947, %min3A_931 : vector<256x128xf32>
    %max3A_949 = arith.maximumf %max3A_947, %min3A_931 : vector<256x128xf32>
    %min3A_950 = arith.minimumf %max3A_949, %min3A_933 : vector<256x128xf32>
    %slice3A_951 = vector.extract_strided_slice %add3A_48 {offsets = [0, 6784], sizes = [256, 128], strides = [1, 1]} : vector<256x10240xf32> to vector<256x128xf32>
    %max3A_952 = arith.constant 1.000000e-30 : f32
    %max3A_953 = vector.broadcast %max3A_952 : f32 to vector<256x128xf32>
    %max3A_954 = arith.maximumf %slice3A_951, %max3A_953 : vector<256x128xf32>
    %bitcast_convert_type3A_955 = tpu.bitcast %max3A_954 : vector<256x128xf32> -> vector<256x128xi32>
    %and3A_956 = arith.constant -128 : i32
    %and3A_957 = vector.broadcast %and3A_956 : i32 to vector<256x128xi32>
    %and3A_958 = arith.andi %bitcast_convert_type3A_955, %and3A_957 : vector<256x128xi32>
    %or3A_959 = arith.constant 53 : i32
    %or3A_960 = vector.broadcast %or3A_959 : i32 to vector<256x128xi32>
    %or3A_961 = arith.ori %and3A_958, %or3A_960 : vector<256x128xi32>
    %bitcast_convert_type3A_962 = tpu.bitcast %or3A_961 : vector<256x128xi32> -> vector<256x128xf32>
    %min3A_963 = arith.minimumf %bitcast_convert_type3A_962, %min3A_946 : vector<256x128xf32>
    %max3A_964 = arith.maximumf %bitcast_convert_type3A_962, %min3A_946 : vector<256x128xf32>
    %min3A_965 = arith.minimumf %max3A_964, %min3A_948 : vector<256x128xf32>
    %max3A_966 = arith.maximumf %max3A_964, %min3A_948 : vector<256x128xf32>
    %min3A_967 = arith.minimumf %max3A_966, %min3A_950 : vector<256x128xf32>
    %slice3A_968 = vector.extract_strided_slice %add3A_48 {offsets = [0, 6912], sizes = [256, 128], strides = [1, 1]} : vector<256x10240xf32> to vector<256x128xf32>
    %max3A_969 = arith.constant 1.000000e-30 : f32
    %max3A_970 = vector.broadcast %max3A_969 : f32 to vector<256x128xf32>
    %max3A_971 = arith.maximumf %slice3A_968, %max3A_970 : vector<256x128xf32>
    %bitcast_convert_type3A_972 = tpu.bitcast %max3A_971 : vector<256x128xf32> -> vector<256x128xi32>
    %and3A_973 = arith.constant -128 : i32
    %and3A_974 = vector.broadcast %and3A_973 : i32 to vector<256x128xi32>
    %and3A_975 = arith.andi %bitcast_convert_type3A_972, %and3A_974 : vector<256x128xi32>
    %or3A_976 = arith.constant 54 : i32
    %or3A_977 = vector.broadcast %or3A_976 : i32 to vector<256x128xi32>
    %or3A_978 = arith.ori %and3A_975, %or3A_977 : vector<256x128xi32>
    %bitcast_convert_type3A_979 = tpu.bitcast %or3A_978 : vector<256x128xi32> -> vector<256x128xf32>
    %min3A_980 = arith.minimumf %bitcast_convert_type3A_979, %min3A_963 : vector<256x128xf32>
    %max3A_981 = arith.maximumf %bitcast_convert_type3A_979, %min3A_963 : vector<256x128xf32>
    %min3A_982 = arith.minimumf %max3A_981, %min3A_965 : vector<256x128xf32>
    %max3A_983 = arith.maximumf %max3A_981, %min3A_965 : vector<256x128xf32>
    %min3A_984 = arith.minimumf %max3A_983, %min3A_967 : vector<256x128xf32>
    %slice3A_985 = vector.extract_strided_slice %add3A_48 {offsets = [0, 7040], sizes = [256, 128], strides = [1, 1]} : vector<256x10240xf32> to vector<256x128xf32>
    %max3A_986 = arith.constant 1.000000e-30 : f32
    %max3A_987 = vector.broadcast %max3A_986 : f32 to vector<256x128xf32>
    %max3A_988 = arith.maximumf %slice3A_985, %max3A_987 : vector<256x128xf32>
    %bitcast_convert_type3A_989 = tpu.bitcast %max3A_988 : vector<256x128xf32> -> vector<256x128xi32>
    %and3A_990 = arith.constant -128 : i32
    %and3A_991 = vector.broadcast %and3A_990 : i32 to vector<256x128xi32>
    %and3A_992 = arith.andi %bitcast_convert_type3A_989, %and3A_991 : vector<256x128xi32>
    %or3A_993 = arith.constant 55 : i32
    %or3A_994 = vector.broadcast %or3A_993 : i32 to vector<256x128xi32>
    %or3A_995 = arith.ori %and3A_992, %or3A_994 : vector<256x128xi32>
    %bitcast_convert_type3A_996 = tpu.bitcast %or3A_995 : vector<256x128xi32> -> vector<256x128xf32>
    %min3A_997 = arith.minimumf %bitcast_convert_type3A_996, %min3A_980 : vector<256x128xf32>
    %max3A_998 = arith.maximumf %bitcast_convert_type3A_996, %min3A_980 : vector<256x128xf32>
    %min3A_999 = arith.minimumf %max3A_998, %min3A_982 : vector<256x128xf32>
    %max3A_1000 = arith.maximumf %max3A_998, %min3A_982 : vector<256x128xf32>
    %min3A_1001 = arith.minimumf %max3A_1000, %min3A_984 : vector<256x128xf32>
    %slice3A_1002 = vector.extract_strided_slice %add3A_48 {offsets = [0, 7168], sizes = [256, 128], strides = [1, 1]} : vector<256x10240xf32> to vector<256x128xf32>
    %max3A_1003 = arith.constant 1.000000e-30 : f32
    %max3A_1004 = vector.broadcast %max3A_1003 : f32 to vector<256x128xf32>
    %max3A_1005 = arith.maximumf %slice3A_1002, %max3A_1004 : vector<256x128xf32>
    %bitcast_convert_type3A_1006 = tpu.bitcast %max3A_1005 : vector<256x128xf32> -> vector<256x128xi32>
    %and3A_1007 = arith.constant -128 : i32
    %and3A_1008 = vector.broadcast %and3A_1007 : i32 to vector<256x128xi32>
    %and3A_1009 = arith.andi %bitcast_convert_type3A_1006, %and3A_1008 : vector<256x128xi32>
    %or3A_1010 = arith.constant 56 : i32
    %or3A_1011 = vector.broadcast %or3A_1010 : i32 to vector<256x128xi32>
    %or3A_1012 = arith.ori %and3A_1009, %or3A_1011 : vector<256x128xi32>
    %bitcast_convert_type3A_1013 = tpu.bitcast %or3A_1012 : vector<256x128xi32> -> vector<256x128xf32>
    %min3A_1014 = arith.minimumf %bitcast_convert_type3A_1013, %min3A_997 : vector<256x128xf32>
    %max3A_1015 = arith.maximumf %bitcast_convert_type3A_1013, %min3A_997 : vector<256x128xf32>
    %min3A_1016 = arith.minimumf %max3A_1015, %min3A_999 : vector<256x128xf32>
    %max3A_1017 = arith.maximumf %max3A_1015, %min3A_999 : vector<256x128xf32>
    %min3A_1018 = arith.minimumf %max3A_1017, %min3A_1001 : vector<256x128xf32>
    %slice3A_1019 = vector.extract_strided_slice %add3A_48 {offsets = [0, 7296], sizes = [256, 128], strides = [1, 1]} : vector<256x10240xf32> to vector<256x128xf32>
    %max3A_1020 = arith.constant 1.000000e-30 : f32
    %max3A_1021 = vector.broadcast %max3A_1020 : f32 to vector<256x128xf32>
    %max3A_1022 = arith.maximumf %slice3A_1019, %max3A_1021 : vector<256x128xf32>
    %bitcast_convert_type3A_1023 = tpu.bitcast %max3A_1022 : vector<256x128xf32> -> vector<256x128xi32>
    %and3A_1024 = arith.constant -128 : i32
    %and3A_1025 = vector.broadcast %and3A_1024 : i32 to vector<256x128xi32>
    %and3A_1026 = arith.andi %bitcast_convert_type3A_1023, %and3A_1025 : vector<256x128xi32>
    %or3A_1027 = arith.constant 57 : i32
    %or3A_1028 = vector.broadcast %or3A_1027 : i32 to vector<256x128xi32>
    %or3A_1029 = arith.ori %and3A_1026, %or3A_1028 : vector<256x128xi32>
    %bitcast_convert_type3A_1030 = tpu.bitcast %or3A_1029 : vector<256x128xi32> -> vector<256x128xf32>
    %min3A_1031 = arith.minimumf %bitcast_convert_type3A_1030, %min3A_1014 : vector<256x128xf32>
    %max3A_1032 = arith.maximumf %bitcast_convert_type3A_1030, %min3A_1014 : vector<256x128xf32>
    %min3A_1033 = arith.minimumf %max3A_1032, %min3A_1016 : vector<256x128xf32>
    %max3A_1034 = arith.maximumf %max3A_1032, %min3A_1016 : vector<256x128xf32>
    %min3A_1035 = arith.minimumf %max3A_1034, %min3A_1018 : vector<256x128xf32>
    %slice3A_1036 = vector.extract_strided_slice %add3A_48 {offsets = [0, 7424], sizes = [256, 128], strides = [1, 1]} : vector<256x10240xf32> to vector<256x128xf32>
    %max3A_1037 = arith.constant 1.000000e-30 : f32
    %max3A_1038 = vector.broadcast %max3A_1037 : f32 to vector<256x128xf32>
    %max3A_1039 = arith.maximumf %slice3A_1036, %max3A_1038 : vector<256x128xf32>
    %bitcast_convert_type3A_1040 = tpu.bitcast %max3A_1039 : vector<256x128xf32> -> vector<256x128xi32>
    %and3A_1041 = arith.constant -128 : i32
    %and3A_1042 = vector.broadcast %and3A_1041 : i32 to vector<256x128xi32>
    %and3A_1043 = arith.andi %bitcast_convert_type3A_1040, %and3A_1042 : vector<256x128xi32>
    %or3A_1044 = arith.constant 58 : i32
    %or3A_1045 = vector.broadcast %or3A_1044 : i32 to vector<256x128xi32>
    %or3A_1046 = arith.ori %and3A_1043, %or3A_1045 : vector<256x128xi32>
    %bitcast_convert_type3A_1047 = tpu.bitcast %or3A_1046 : vector<256x128xi32> -> vector<256x128xf32>
    %min3A_1048 = arith.minimumf %bitcast_convert_type3A_1047, %min3A_1031 : vector<256x128xf32>
    %max3A_1049 = arith.maximumf %bitcast_convert_type3A_1047, %min3A_1031 : vector<256x128xf32>
    %min3A_1050 = arith.minimumf %max3A_1049, %min3A_1033 : vector<256x128xf32>
    %max3A_1051 = arith.maximumf %max3A_1049, %min3A_1033 : vector<256x128xf32>
    %min3A_1052 = arith.minimumf %max3A_1051, %min3A_1035 : vector<256x128xf32>
    %slice3A_1053 = vector.extract_strided_slice %add3A_48 {offsets = [0, 7552], sizes = [256, 128], strides = [1, 1]} : vector<256x10240xf32> to vector<256x128xf32>
    %max3A_1054 = arith.constant 1.000000e-30 : f32
    %max3A_1055 = vector.broadcast %max3A_1054 : f32 to vector<256x128xf32>
    %max3A_1056 = arith.maximumf %slice3A_1053, %max3A_1055 : vector<256x128xf32>
    %bitcast_convert_type3A_1057 = tpu.bitcast %max3A_1056 : vector<256x128xf32> -> vector<256x128xi32>
    %and3A_1058 = arith.constant -128 : i32
    %and3A_1059 = vector.broadcast %and3A_1058 : i32 to vector<256x128xi32>
    %and3A_1060 = arith.andi %bitcast_convert_type3A_1057, %and3A_1059 : vector<256x128xi32>
    %or3A_1061 = arith.constant 59 : i32
    %or3A_1062 = vector.broadcast %or3A_1061 : i32 to vector<256x128xi32>
    %or3A_1063 = arith.ori %and3A_1060, %or3A_1062 : vector<256x128xi32>
    %bitcast_convert_type3A_1064 = tpu.bitcast %or3A_1063 : vector<256x128xi32> -> vector<256x128xf32>
    %min3A_1065 = arith.minimumf %bitcast_convert_type3A_1064, %min3A_1048 : vector<256x128xf32>
    %max3A_1066 = arith.maximumf %bitcast_convert_type3A_1064, %min3A_1048 : vector<256x128xf32>
    %min3A_1067 = arith.minimumf %max3A_1066, %min3A_1050 : vector<256x128xf32>
    %max3A_1068 = arith.maximumf %max3A_1066, %min3A_1050 : vector<256x128xf32>
    %min3A_1069 = arith.minimumf %max3A_1068, %min3A_1052 : vector<256x128xf32>
    %slice3A_1070 = vector.extract_strided_slice %add3A_48 {offsets = [0, 7680], sizes = [256, 128], strides = [1, 1]} : vector<256x10240xf32> to vector<256x128xf32>
    %max3A_1071 = arith.constant 1.000000e-30 : f32
    %max3A_1072 = vector.broadcast %max3A_1071 : f32 to vector<256x128xf32>
    %max3A_1073 = arith.maximumf %slice3A_1070, %max3A_1072 : vector<256x128xf32>
    %bitcast_convert_type3A_1074 = tpu.bitcast %max3A_1073 : vector<256x128xf32> -> vector<256x128xi32>
    %and3A_1075 = arith.constant -128 : i32
    %and3A_1076 = vector.broadcast %and3A_1075 : i32 to vector<256x128xi32>
    %and3A_1077 = arith.andi %bitcast_convert_type3A_1074, %and3A_1076 : vector<256x128xi32>
    %or3A_1078 = arith.constant 60 : i32
    %or3A_1079 = vector.broadcast %or3A_1078 : i32 to vector<256x128xi32>
    %or3A_1080 = arith.ori %and3A_1077, %or3A_1079 : vector<256x128xi32>
    %bitcast_convert_type3A_1081 = tpu.bitcast %or3A_1080 : vector<256x128xi32> -> vector<256x128xf32>
    %min3A_1082 = arith.minimumf %bitcast_convert_type3A_1081, %min3A_1065 : vector<256x128xf32>
    %max3A_1083 = arith.maximumf %bitcast_convert_type3A_1081, %min3A_1065 : vector<256x128xf32>
    %min3A_1084 = arith.minimumf %max3A_1083, %min3A_1067 : vector<256x128xf32>
    %max3A_1085 = arith.maximumf %max3A_1083, %min3A_1067 : vector<256x128xf32>
    %min3A_1086 = arith.minimumf %max3A_1085, %min3A_1069 : vector<256x128xf32>
    %slice3A_1087 = vector.extract_strided_slice %add3A_48 {offsets = [0, 7808], sizes = [256, 128], strides = [1, 1]} : vector<256x10240xf32> to vector<256x128xf32>
    %max3A_1088 = arith.constant 1.000000e-30 : f32
    %max3A_1089 = vector.broadcast %max3A_1088 : f32 to vector<256x128xf32>
    %max3A_1090 = arith.maximumf %slice3A_1087, %max3A_1089 : vector<256x128xf32>
    %bitcast_convert_type3A_1091 = tpu.bitcast %max3A_1090 : vector<256x128xf32> -> vector<256x128xi32>
    %and3A_1092 = arith.constant -128 : i32
    %and3A_1093 = vector.broadcast %and3A_1092 : i32 to vector<256x128xi32>
    %and3A_1094 = arith.andi %bitcast_convert_type3A_1091, %and3A_1093 : vector<256x128xi32>
    %or3A_1095 = arith.constant 61 : i32
    %or3A_1096 = vector.broadcast %or3A_1095 : i32 to vector<256x128xi32>
    %or3A_1097 = arith.ori %and3A_1094, %or3A_1096 : vector<256x128xi32>
    %bitcast_convert_type3A_1098 = tpu.bitcast %or3A_1097 : vector<256x128xi32> -> vector<256x128xf32>
    %min3A_1099 = arith.minimumf %bitcast_convert_type3A_1098, %min3A_1082 : vector<256x128xf32>
    %max3A_1100 = arith.maximumf %bitcast_convert_type3A_1098, %min3A_1082 : vector<256x128xf32>
    %min3A_1101 = arith.minimumf %max3A_1100, %min3A_1084 : vector<256x128xf32>
    %max3A_1102 = arith.maximumf %max3A_1100, %min3A_1084 : vector<256x128xf32>
    %min3A_1103 = arith.minimumf %max3A_1102, %min3A_1086 : vector<256x128xf32>
    %slice3A_1104 = vector.extract_strided_slice %add3A_48 {offsets = [0, 7936], sizes = [256, 128], strides = [1, 1]} : vector<256x10240xf32> to vector<256x128xf32>
    %max3A_1105 = arith.constant 1.000000e-30 : f32
    %max3A_1106 = vector.broadcast %max3A_1105 : f32 to vector<256x128xf32>
    %max3A_1107 = arith.maximumf %slice3A_1104, %max3A_1106 : vector<256x128xf32>
    %bitcast_convert_type3A_1108 = tpu.bitcast %max3A_1107 : vector<256x128xf32> -> vector<256x128xi32>
    %and3A_1109 = arith.constant -128 : i32
    %and3A_1110 = vector.broadcast %and3A_1109 : i32 to vector<256x128xi32>
    %and3A_1111 = arith.andi %bitcast_convert_type3A_1108, %and3A_1110 : vector<256x128xi32>
    %or3A_1112 = arith.constant 62 : i32
    %or3A_1113 = vector.broadcast %or3A_1112 : i32 to vector<256x128xi32>
    %or3A_1114 = arith.ori %and3A_1111, %or3A_1113 : vector<256x128xi32>
    %bitcast_convert_type3A_1115 = tpu.bitcast %or3A_1114 : vector<256x128xi32> -> vector<256x128xf32>
    %min3A_1116 = arith.minimumf %bitcast_convert_type3A_1115, %min3A_1099 : vector<256x128xf32>
    %max3A_1117 = arith.maximumf %bitcast_convert_type3A_1115, %min3A_1099 : vector<256x128xf32>
    %min3A_1118 = arith.minimumf %max3A_1117, %min3A_1101 : vector<256x128xf32>
    %max3A_1119 = arith.maximumf %max3A_1117, %min3A_1101 : vector<256x128xf32>
    %min3A_1120 = arith.minimumf %max3A_1119, %min3A_1103 : vector<256x128xf32>
    %slice3A_1121 = vector.extract_strided_slice %add3A_48 {offsets = [0, 8064], sizes = [256, 128], strides = [1, 1]} : vector<256x10240xf32> to vector<256x128xf32>
    %max3A_1122 = arith.constant 1.000000e-30 : f32
    %max3A_1123 = vector.broadcast %max3A_1122 : f32 to vector<256x128xf32>
    %max3A_1124 = arith.maximumf %slice3A_1121, %max3A_1123 : vector<256x128xf32>
    %bitcast_convert_type3A_1125 = tpu.bitcast %max3A_1124 : vector<256x128xf32> -> vector<256x128xi32>
    %and3A_1126 = arith.constant -128 : i32
    %and3A_1127 = vector.broadcast %and3A_1126 : i32 to vector<256x128xi32>
    %and3A_1128 = arith.andi %bitcast_convert_type3A_1125, %and3A_1127 : vector<256x128xi32>
    %or3A_1129 = arith.constant 63 : i32
    %or3A_1130 = vector.broadcast %or3A_1129 : i32 to vector<256x128xi32>
    %or3A_1131 = arith.ori %and3A_1128, %or3A_1130 : vector<256x128xi32>
    %bitcast_convert_type3A_1132 = tpu.bitcast %or3A_1131 : vector<256x128xi32> -> vector<256x128xf32>
    %min3A_1133 = arith.minimumf %bitcast_convert_type3A_1132, %min3A_1116 : vector<256x128xf32>
    %max3A_1134 = arith.maximumf %bitcast_convert_type3A_1132, %min3A_1116 : vector<256x128xf32>
    %min3A_1135 = arith.minimumf %max3A_1134, %min3A_1118 : vector<256x128xf32>
    %max3A_1136 = arith.maximumf %max3A_1134, %min3A_1118 : vector<256x128xf32>
    %min3A_1137 = arith.minimumf %max3A_1136, %min3A_1120 : vector<256x128xf32>
    %slice3A_1138 = vector.extract_strided_slice %add3A_48 {offsets = [0, 8192], sizes = [256, 128], strides = [1, 1]} : vector<256x10240xf32> to vector<256x128xf32>
    %max3A_1139 = arith.constant 1.000000e-30 : f32
    %max3A_1140 = vector.broadcast %max3A_1139 : f32 to vector<256x128xf32>
    %max3A_1141 = arith.maximumf %slice3A_1138, %max3A_1140 : vector<256x128xf32>
    %bitcast_convert_type3A_1142 = tpu.bitcast %max3A_1141 : vector<256x128xf32> -> vector<256x128xi32>
    %and3A_1143 = arith.constant -128 : i32
    %and3A_1144 = vector.broadcast %and3A_1143 : i32 to vector<256x128xi32>
    %and3A_1145 = arith.andi %bitcast_convert_type3A_1142, %and3A_1144 : vector<256x128xi32>
    %or3A_1146 = arith.constant 64 : i32
    %or3A_1147 = vector.broadcast %or3A_1146 : i32 to vector<256x128xi32>
    %or3A_1148 = arith.ori %and3A_1145, %or3A_1147 : vector<256x128xi32>
    %bitcast_convert_type3A_1149 = tpu.bitcast %or3A_1148 : vector<256x128xi32> -> vector<256x128xf32>
    %min3A_1150 = arith.minimumf %bitcast_convert_type3A_1149, %min3A_1133 : vector<256x128xf32>
    %max3A_1151 = arith.maximumf %bitcast_convert_type3A_1149, %min3A_1133 : vector<256x128xf32>
    %min3A_1152 = arith.minimumf %max3A_1151, %min3A_1135 : vector<256x128xf32>
    %max3A_1153 = arith.maximumf %max3A_1151, %min3A_1135 : vector<256x128xf32>
    %min3A_1154 = arith.minimumf %max3A_1153, %min3A_1137 : vector<256x128xf32>
    %slice3A_1155 = vector.extract_strided_slice %add3A_48 {offsets = [0, 8320], sizes = [256, 128], strides = [1, 1]} : vector<256x10240xf32> to vector<256x128xf32>
    %max3A_1156 = arith.constant 1.000000e-30 : f32
    %max3A_1157 = vector.broadcast %max3A_1156 : f32 to vector<256x128xf32>
    %max3A_1158 = arith.maximumf %slice3A_1155, %max3A_1157 : vector<256x128xf32>
    %bitcast_convert_type3A_1159 = tpu.bitcast %max3A_1158 : vector<256x128xf32> -> vector<256x128xi32>
    %and3A_1160 = arith.constant -128 : i32
    %and3A_1161 = vector.broadcast %and3A_1160 : i32 to vector<256x128xi32>
    %and3A_1162 = arith.andi %bitcast_convert_type3A_1159, %and3A_1161 : vector<256x128xi32>
    %or3A_1163 = arith.constant 65 : i32
    %or3A_1164 = vector.broadcast %or3A_1163 : i32 to vector<256x128xi32>
    %or3A_1165 = arith.ori %and3A_1162, %or3A_1164 : vector<256x128xi32>
    %bitcast_convert_type3A_1166 = tpu.bitcast %or3A_1165 : vector<256x128xi32> -> vector<256x128xf32>
    %min3A_1167 = arith.minimumf %bitcast_convert_type3A_1166, %min3A_1150 : vector<256x128xf32>
    %max3A_1168 = arith.maximumf %bitcast_convert_type3A_1166, %min3A_1150 : vector<256x128xf32>
    %min3A_1169 = arith.minimumf %max3A_1168, %min3A_1152 : vector<256x128xf32>
    %max3A_1170 = arith.maximumf %max3A_1168, %min3A_1152 : vector<256x128xf32>
    %min3A_1171 = arith.minimumf %max3A_1170, %min3A_1154 : vector<256x128xf32>
    %slice3A_1172 = vector.extract_strided_slice %add3A_48 {offsets = [0, 8448], sizes = [256, 128], strides = [1, 1]} : vector<256x10240xf32> to vector<256x128xf32>
    %max3A_1173 = arith.constant 1.000000e-30 : f32
    %max3A_1174 = vector.broadcast %max3A_1173 : f32 to vector<256x128xf32>
    %max3A_1175 = arith.maximumf %slice3A_1172, %max3A_1174 : vector<256x128xf32>
    %bitcast_convert_type3A_1176 = tpu.bitcast %max3A_1175 : vector<256x128xf32> -> vector<256x128xi32>
    %and3A_1177 = arith.constant -128 : i32
    %and3A_1178 = vector.broadcast %and3A_1177 : i32 to vector<256x128xi32>
    %and3A_1179 = arith.andi %bitcast_convert_type3A_1176, %and3A_1178 : vector<256x128xi32>
    %or3A_1180 = arith.constant 66 : i32
    %or3A_1181 = vector.broadcast %or3A_1180 : i32 to vector<256x128xi32>
    %or3A_1182 = arith.ori %and3A_1179, %or3A_1181 : vector<256x128xi32>
    %bitcast_convert_type3A_1183 = tpu.bitcast %or3A_1182 : vector<256x128xi32> -> vector<256x128xf32>
    %min3A_1184 = arith.minimumf %bitcast_convert_type3A_1183, %min3A_1167 : vector<256x128xf32>
    %max3A_1185 = arith.maximumf %bitcast_convert_type3A_1183, %min3A_1167 : vector<256x128xf32>
    %min3A_1186 = arith.minimumf %max3A_1185, %min3A_1169 : vector<256x128xf32>
    %max3A_1187 = arith.maximumf %max3A_1185, %min3A_1169 : vector<256x128xf32>
    %min3A_1188 = arith.minimumf %max3A_1187, %min3A_1171 : vector<256x128xf32>
    %slice3A_1189 = vector.extract_strided_slice %add3A_48 {offsets = [0, 8576], sizes = [256, 128], strides = [1, 1]} : vector<256x10240xf32> to vector<256x128xf32>
    %max3A_1190 = arith.constant 1.000000e-30 : f32
    %max3A_1191 = vector.broadcast %max3A_1190 : f32 to vector<256x128xf32>
    %max3A_1192 = arith.maximumf %slice3A_1189, %max3A_1191 : vector<256x128xf32>
    %bitcast_convert_type3A_1193 = tpu.bitcast %max3A_1192 : vector<256x128xf32> -> vector<256x128xi32>
    %and3A_1194 = arith.constant -128 : i32
    %and3A_1195 = vector.broadcast %and3A_1194 : i32 to vector<256x128xi32>
    %and3A_1196 = arith.andi %bitcast_convert_type3A_1193, %and3A_1195 : vector<256x128xi32>
    %or3A_1197 = arith.constant 67 : i32
    %or3A_1198 = vector.broadcast %or3A_1197 : i32 to vector<256x128xi32>
    %or3A_1199 = arith.ori %and3A_1196, %or3A_1198 : vector<256x128xi32>
    %bitcast_convert_type3A_1200 = tpu.bitcast %or3A_1199 : vector<256x128xi32> -> vector<256x128xf32>
    %min3A_1201 = arith.minimumf %bitcast_convert_type3A_1200, %min3A_1184 : vector<256x128xf32>
    %max3A_1202 = arith.maximumf %bitcast_convert_type3A_1200, %min3A_1184 : vector<256x128xf32>
    %min3A_1203 = arith.minimumf %max3A_1202, %min3A_1186 : vector<256x128xf32>
    %max3A_1204 = arith.maximumf %max3A_1202, %min3A_1186 : vector<256x128xf32>
    %min3A_1205 = arith.minimumf %max3A_1204, %min3A_1188 : vector<256x128xf32>
    %slice3A_1206 = vector.extract_strided_slice %add3A_48 {offsets = [0, 8704], sizes = [256, 128], strides = [1, 1]} : vector<256x10240xf32> to vector<256x128xf32>
    %max3A_1207 = arith.constant 1.000000e-30 : f32
    %max3A_1208 = vector.broadcast %max3A_1207 : f32 to vector<256x128xf32>
    %max3A_1209 = arith.maximumf %slice3A_1206, %max3A_1208 : vector<256x128xf32>
    %bitcast_convert_type3A_1210 = tpu.bitcast %max3A_1209 : vector<256x128xf32> -> vector<256x128xi32>
    %and3A_1211 = arith.constant -128 : i32
    %and3A_1212 = vector.broadcast %and3A_1211 : i32 to vector<256x128xi32>
    %and3A_1213 = arith.andi %bitcast_convert_type3A_1210, %and3A_1212 : vector<256x128xi32>
    %or3A_1214 = arith.constant 68 : i32
    %or3A_1215 = vector.broadcast %or3A_1214 : i32 to vector<256x128xi32>
    %or3A_1216 = arith.ori %and3A_1213, %or3A_1215 : vector<256x128xi32>
    %bitcast_convert_type3A_1217 = tpu.bitcast %or3A_1216 : vector<256x128xi32> -> vector<256x128xf32>
    %min3A_1218 = arith.minimumf %bitcast_convert_type3A_1217, %min3A_1201 : vector<256x128xf32>
    %max3A_1219 = arith.maximumf %bitcast_convert_type3A_1217, %min3A_1201 : vector<256x128xf32>
    %min3A_1220 = arith.minimumf %max3A_1219, %min3A_1203 : vector<256x128xf32>
    %max3A_1221 = arith.maximumf %max3A_1219, %min3A_1203 : vector<256x128xf32>
    %min3A_1222 = arith.minimumf %max3A_1221, %min3A_1205 : vector<256x128xf32>
    %slice3A_1223 = vector.extract_strided_slice %add3A_48 {offsets = [0, 8832], sizes = [256, 128], strides = [1, 1]} : vector<256x10240xf32> to vector<256x128xf32>
    %max3A_1224 = arith.constant 1.000000e-30 : f32
    %max3A_1225 = vector.broadcast %max3A_1224 : f32 to vector<256x128xf32>
    %max3A_1226 = arith.maximumf %slice3A_1223, %max3A_1225 : vector<256x128xf32>
    %bitcast_convert_type3A_1227 = tpu.bitcast %max3A_1226 : vector<256x128xf32> -> vector<256x128xi32>
    %and3A_1228 = arith.constant -128 : i32
    %and3A_1229 = vector.broadcast %and3A_1228 : i32 to vector<256x128xi32>
    %and3A_1230 = arith.andi %bitcast_convert_type3A_1227, %and3A_1229 : vector<256x128xi32>
    %or3A_1231 = arith.constant 69 : i32
    %or3A_1232 = vector.broadcast %or3A_1231 : i32 to vector<256x128xi32>
    %or3A_1233 = arith.ori %and3A_1230, %or3A_1232 : vector<256x128xi32>
    %bitcast_convert_type3A_1234 = tpu.bitcast %or3A_1233 : vector<256x128xi32> -> vector<256x128xf32>
    %min3A_1235 = arith.minimumf %bitcast_convert_type3A_1234, %min3A_1218 : vector<256x128xf32>
    %max3A_1236 = arith.maximumf %bitcast_convert_type3A_1234, %min3A_1218 : vector<256x128xf32>
    %min3A_1237 = arith.minimumf %max3A_1236, %min3A_1220 : vector<256x128xf32>
    %max3A_1238 = arith.maximumf %max3A_1236, %min3A_1220 : vector<256x128xf32>
    %min3A_1239 = arith.minimumf %max3A_1238, %min3A_1222 : vector<256x128xf32>
    %slice3A_1240 = vector.extract_strided_slice %add3A_48 {offsets = [0, 8960], sizes = [256, 128], strides = [1, 1]} : vector<256x10240xf32> to vector<256x128xf32>
    %max3A_1241 = arith.constant 1.000000e-30 : f32
    %max3A_1242 = vector.broadcast %max3A_1241 : f32 to vector<256x128xf32>
    %max3A_1243 = arith.maximumf %slice3A_1240, %max3A_1242 : vector<256x128xf32>
    %bitcast_convert_type3A_1244 = tpu.bitcast %max3A_1243 : vector<256x128xf32> -> vector<256x128xi32>
    %and3A_1245 = arith.constant -128 : i32
    %and3A_1246 = vector.broadcast %and3A_1245 : i32 to vector<256x128xi32>
    %and3A_1247 = arith.andi %bitcast_convert_type3A_1244, %and3A_1246 : vector<256x128xi32>
    %or3A_1248 = arith.constant 70 : i32
    %or3A_1249 = vector.broadcast %or3A_1248 : i32 to vector<256x128xi32>
    %or3A_1250 = arith.ori %and3A_1247, %or3A_1249 : vector<256x128xi32>
    %bitcast_convert_type3A_1251 = tpu.bitcast %or3A_1250 : vector<256x128xi32> -> vector<256x128xf32>
    %min3A_1252 = arith.minimumf %bitcast_convert_type3A_1251, %min3A_1235 : vector<256x128xf32>
    %max3A_1253 = arith.maximumf %bitcast_convert_type3A_1251, %min3A_1235 : vector<256x128xf32>
    %min3A_1254 = arith.minimumf %max3A_1253, %min3A_1237 : vector<256x128xf32>
    %max3A_1255 = arith.maximumf %max3A_1253, %min3A_1237 : vector<256x128xf32>
    %min3A_1256 = arith.minimumf %max3A_1255, %min3A_1239 : vector<256x128xf32>
    %slice3A_1257 = vector.extract_strided_slice %add3A_48 {offsets = [0, 9088], sizes = [256, 128], strides = [1, 1]} : vector<256x10240xf32> to vector<256x128xf32>
    %max3A_1258 = arith.constant 1.000000e-30 : f32
    %max3A_1259 = vector.broadcast %max3A_1258 : f32 to vector<256x128xf32>
    %max3A_1260 = arith.maximumf %slice3A_1257, %max3A_1259 : vector<256x128xf32>
    %bitcast_convert_type3A_1261 = tpu.bitcast %max3A_1260 : vector<256x128xf32> -> vector<256x128xi32>
    %and3A_1262 = arith.constant -128 : i32
    %and3A_1263 = vector.broadcast %and3A_1262 : i32 to vector<256x128xi32>
    %and3A_1264 = arith.andi %bitcast_convert_type3A_1261, %and3A_1263 : vector<256x128xi32>
    %or3A_1265 = arith.constant 71 : i32
    %or3A_1266 = vector.broadcast %or3A_1265 : i32 to vector<256x128xi32>
    %or3A_1267 = arith.ori %and3A_1264, %or3A_1266 : vector<256x128xi32>
    %bitcast_convert_type3A_1268 = tpu.bitcast %or3A_1267 : vector<256x128xi32> -> vector<256x128xf32>
    %min3A_1269 = arith.minimumf %bitcast_convert_type3A_1268, %min3A_1252 : vector<256x128xf32>
    %max3A_1270 = arith.maximumf %bitcast_convert_type3A_1268, %min3A_1252 : vector<256x128xf32>
    %min3A_1271 = arith.minimumf %max3A_1270, %min3A_1254 : vector<256x128xf32>
    %max3A_1272 = arith.maximumf %max3A_1270, %min3A_1254 : vector<256x128xf32>
    %min3A_1273 = arith.minimumf %max3A_1272, %min3A_1256 : vector<256x128xf32>
    %slice3A_1274 = vector.extract_strided_slice %add3A_48 {offsets = [0, 9216], sizes = [256, 128], strides = [1, 1]} : vector<256x10240xf32> to vector<256x128xf32>
    %max3A_1275 = arith.constant 1.000000e-30 : f32
    %max3A_1276 = vector.broadcast %max3A_1275 : f32 to vector<256x128xf32>
    %max3A_1277 = arith.maximumf %slice3A_1274, %max3A_1276 : vector<256x128xf32>
    %bitcast_convert_type3A_1278 = tpu.bitcast %max3A_1277 : vector<256x128xf32> -> vector<256x128xi32>
    %and3A_1279 = arith.constant -128 : i32
    %and3A_1280 = vector.broadcast %and3A_1279 : i32 to vector<256x128xi32>
    %and3A_1281 = arith.andi %bitcast_convert_type3A_1278, %and3A_1280 : vector<256x128xi32>
    %or3A_1282 = arith.constant 72 : i32
    %or3A_1283 = vector.broadcast %or3A_1282 : i32 to vector<256x128xi32>
    %or3A_1284 = arith.ori %and3A_1281, %or3A_1283 : vector<256x128xi32>
    %bitcast_convert_type3A_1285 = tpu.bitcast %or3A_1284 : vector<256x128xi32> -> vector<256x128xf32>
    %min3A_1286 = arith.minimumf %bitcast_convert_type3A_1285, %min3A_1269 : vector<256x128xf32>
    %max3A_1287 = arith.maximumf %bitcast_convert_type3A_1285, %min3A_1269 : vector<256x128xf32>
    %min3A_1288 = arith.minimumf %max3A_1287, %min3A_1271 : vector<256x128xf32>
    %max3A_1289 = arith.maximumf %max3A_1287, %min3A_1271 : vector<256x128xf32>
    %min3A_1290 = arith.minimumf %max3A_1289, %min3A_1273 : vector<256x128xf32>
    %slice3A_1291 = vector.extract_strided_slice %add3A_48 {offsets = [0, 9344], sizes = [256, 128], strides = [1, 1]} : vector<256x10240xf32> to vector<256x128xf32>
    %max3A_1292 = arith.constant 1.000000e-30 : f32
    %max3A_1293 = vector.broadcast %max3A_1292 : f32 to vector<256x128xf32>
    %max3A_1294 = arith.maximumf %slice3A_1291, %max3A_1293 : vector<256x128xf32>
    %bitcast_convert_type3A_1295 = tpu.bitcast %max3A_1294 : vector<256x128xf32> -> vector<256x128xi32>
    %and3A_1296 = arith.constant -128 : i32
    %and3A_1297 = vector.broadcast %and3A_1296 : i32 to vector<256x128xi32>
    %and3A_1298 = arith.andi %bitcast_convert_type3A_1295, %and3A_1297 : vector<256x128xi32>
    %or3A_1299 = arith.constant 73 : i32
    %or3A_1300 = vector.broadcast %or3A_1299 : i32 to vector<256x128xi32>
    %or3A_1301 = arith.ori %and3A_1298, %or3A_1300 : vector<256x128xi32>
    %bitcast_convert_type3A_1302 = tpu.bitcast %or3A_1301 : vector<256x128xi32> -> vector<256x128xf32>
    %min3A_1303 = arith.minimumf %bitcast_convert_type3A_1302, %min3A_1286 : vector<256x128xf32>
    %max3A_1304 = arith.maximumf %bitcast_convert_type3A_1302, %min3A_1286 : vector<256x128xf32>
    %min3A_1305 = arith.minimumf %max3A_1304, %min3A_1288 : vector<256x128xf32>
    %max3A_1306 = arith.maximumf %max3A_1304, %min3A_1288 : vector<256x128xf32>
    %min3A_1307 = arith.minimumf %max3A_1306, %min3A_1290 : vector<256x128xf32>
    %slice3A_1308 = vector.extract_strided_slice %add3A_48 {offsets = [0, 9472], sizes = [256, 128], strides = [1, 1]} : vector<256x10240xf32> to vector<256x128xf32>
    %max3A_1309 = arith.constant 1.000000e-30 : f32
    %max3A_1310 = vector.broadcast %max3A_1309 : f32 to vector<256x128xf32>
    %max3A_1311 = arith.maximumf %slice3A_1308, %max3A_1310 : vector<256x128xf32>
    %bitcast_convert_type3A_1312 = tpu.bitcast %max3A_1311 : vector<256x128xf32> -> vector<256x128xi32>
    %and3A_1313 = arith.constant -128 : i32
    %and3A_1314 = vector.broadcast %and3A_1313 : i32 to vector<256x128xi32>
    %and3A_1315 = arith.andi %bitcast_convert_type3A_1312, %and3A_1314 : vector<256x128xi32>
    %or3A_1316 = arith.constant 74 : i32
    %or3A_1317 = vector.broadcast %or3A_1316 : i32 to vector<256x128xi32>
    %or3A_1318 = arith.ori %and3A_1315, %or3A_1317 : vector<256x128xi32>
    %bitcast_convert_type3A_1319 = tpu.bitcast %or3A_1318 : vector<256x128xi32> -> vector<256x128xf32>
    %min3A_1320 = arith.minimumf %bitcast_convert_type3A_1319, %min3A_1303 : vector<256x128xf32>
    %max3A_1321 = arith.maximumf %bitcast_convert_type3A_1319, %min3A_1303 : vector<256x128xf32>
    %min3A_1322 = arith.minimumf %max3A_1321, %min3A_1305 : vector<256x128xf32>
    %max3A_1323 = arith.maximumf %max3A_1321, %min3A_1305 : vector<256x128xf32>
    %min3A_1324 = arith.minimumf %max3A_1323, %min3A_1307 : vector<256x128xf32>
    %slice3A_1325 = vector.extract_strided_slice %add3A_48 {offsets = [0, 9600], sizes = [256, 128], strides = [1, 1]} : vector<256x10240xf32> to vector<256x128xf32>
    %max3A_1326 = arith.constant 1.000000e-30 : f32
    %max3A_1327 = vector.broadcast %max3A_1326 : f32 to vector<256x128xf32>
    %max3A_1328 = arith.maximumf %slice3A_1325, %max3A_1327 : vector<256x128xf32>
    %bitcast_convert_type3A_1329 = tpu.bitcast %max3A_1328 : vector<256x128xf32> -> vector<256x128xi32>
    %and3A_1330 = arith.constant -128 : i32
    %and3A_1331 = vector.broadcast %and3A_1330 : i32 to vector<256x128xi32>
    %and3A_1332 = arith.andi %bitcast_convert_type3A_1329, %and3A_1331 : vector<256x128xi32>
    %or3A_1333 = arith.constant 75 : i32
    %or3A_1334 = vector.broadcast %or3A_1333 : i32 to vector<256x128xi32>
    %or3A_1335 = arith.ori %and3A_1332, %or3A_1334 : vector<256x128xi32>
    %bitcast_convert_type3A_1336 = tpu.bitcast %or3A_1335 : vector<256x128xi32> -> vector<256x128xf32>
    %min3A_1337 = arith.minimumf %bitcast_convert_type3A_1336, %min3A_1320 : vector<256x128xf32>
    %max3A_1338 = arith.maximumf %bitcast_convert_type3A_1336, %min3A_1320 : vector<256x128xf32>
    %min3A_1339 = arith.minimumf %max3A_1338, %min3A_1322 : vector<256x128xf32>
    %max3A_1340 = arith.maximumf %max3A_1338, %min3A_1322 : vector<256x128xf32>
    %min3A_1341 = arith.minimumf %max3A_1340, %min3A_1324 : vector<256x128xf32>
    %slice3A_1342 = vector.extract_strided_slice %add3A_48 {offsets = [0, 9728], sizes = [256, 128], strides = [1, 1]} : vector<256x10240xf32> to vector<256x128xf32>
    %max3A_1343 = arith.constant 1.000000e-30 : f32
    %max3A_1344 = vector.broadcast %max3A_1343 : f32 to vector<256x128xf32>
    %max3A_1345 = arith.maximumf %slice3A_1342, %max3A_1344 : vector<256x128xf32>
    %bitcast_convert_type3A_1346 = tpu.bitcast %max3A_1345 : vector<256x128xf32> -> vector<256x128xi32>
    %and3A_1347 = arith.constant -128 : i32
    %and3A_1348 = vector.broadcast %and3A_1347 : i32 to vector<256x128xi32>
    %and3A_1349 = arith.andi %bitcast_convert_type3A_1346, %and3A_1348 : vector<256x128xi32>
    %or3A_1350 = arith.constant 76 : i32
    %or3A_1351 = vector.broadcast %or3A_1350 : i32 to vector<256x128xi32>
    %or3A_1352 = arith.ori %and3A_1349, %or3A_1351 : vector<256x128xi32>
    %bitcast_convert_type3A_1353 = tpu.bitcast %or3A_1352 : vector<256x128xi32> -> vector<256x128xf32>
    %min3A_1354 = arith.minimumf %bitcast_convert_type3A_1353, %min3A_1337 : vector<256x128xf32>
    %max3A_1355 = arith.maximumf %bitcast_convert_type3A_1353, %min3A_1337 : vector<256x128xf32>
    %min3A_1356 = arith.minimumf %max3A_1355, %min3A_1339 : vector<256x128xf32>
    %max3A_1357 = arith.maximumf %max3A_1355, %min3A_1339 : vector<256x128xf32>
    %min3A_1358 = arith.minimumf %max3A_1357, %min3A_1341 : vector<256x128xf32>
    %slice3A_1359 = vector.extract_strided_slice %add3A_48 {offsets = [0, 9856], sizes = [256, 128], strides = [1, 1]} : vector<256x10240xf32> to vector<256x128xf32>
    %max3A_1360 = arith.constant 1.000000e-30 : f32
    %max3A_1361 = vector.broadcast %max3A_1360 : f32 to vector<256x128xf32>
    %max3A_1362 = arith.maximumf %slice3A_1359, %max3A_1361 : vector<256x128xf32>
    %bitcast_convert_type3A_1363 = tpu.bitcast %max3A_1362 : vector<256x128xf32> -> vector<256x128xi32>
    %and3A_1364 = arith.constant -128 : i32
    %and3A_1365 = vector.broadcast %and3A_1364 : i32 to vector<256x128xi32>
    %and3A_1366 = arith.andi %bitcast_convert_type3A_1363, %and3A_1365 : vector<256x128xi32>
    %or3A_1367 = arith.constant 77 : i32
    %or3A_1368 = vector.broadcast %or3A_1367 : i32 to vector<256x128xi32>
    %or3A_1369 = arith.ori %and3A_1366, %or3A_1368 : vector<256x128xi32>
    %bitcast_convert_type3A_1370 = tpu.bitcast %or3A_1369 : vector<256x128xi32> -> vector<256x128xf32>
    %min3A_1371 = arith.minimumf %bitcast_convert_type3A_1370, %min3A_1354 : vector<256x128xf32>
    %max3A_1372 = arith.maximumf %bitcast_convert_type3A_1370, %min3A_1354 : vector<256x128xf32>
    %min3A_1373 = arith.minimumf %max3A_1372, %min3A_1356 : vector<256x128xf32>
    %max3A_1374 = arith.maximumf %max3A_1372, %min3A_1356 : vector<256x128xf32>
    %min3A_1375 = arith.minimumf %max3A_1374, %min3A_1358 : vector<256x128xf32>
    %slice3A_1376 = vector.extract_strided_slice %add3A_48 {offsets = [0, 9984], sizes = [256, 128], strides = [1, 1]} : vector<256x10240xf32> to vector<256x128xf32>
    %max3A_1377 = arith.constant 1.000000e-30 : f32
    %max3A_1378 = vector.broadcast %max3A_1377 : f32 to vector<256x128xf32>
    %max3A_1379 = arith.maximumf %slice3A_1376, %max3A_1378 : vector<256x128xf32>
    %bitcast_convert_type3A_1380 = tpu.bitcast %max3A_1379 : vector<256x128xf32> -> vector<256x128xi32>
    %and3A_1381 = arith.constant -128 : i32
    %and3A_1382 = vector.broadcast %and3A_1381 : i32 to vector<256x128xi32>
    %and3A_1383 = arith.andi %bitcast_convert_type3A_1380, %and3A_1382 : vector<256x128xi32>
    %or3A_1384 = arith.constant 78 : i32
    %or3A_1385 = vector.broadcast %or3A_1384 : i32 to vector<256x128xi32>
    %or3A_1386 = arith.ori %and3A_1383, %or3A_1385 : vector<256x128xi32>
    %bitcast_convert_type3A_1387 = tpu.bitcast %or3A_1386 : vector<256x128xi32> -> vector<256x128xf32>
    %min3A_1388 = arith.minimumf %bitcast_convert_type3A_1387, %min3A_1371 : vector<256x128xf32>
    %max3A_1389 = arith.maximumf %bitcast_convert_type3A_1387, %min3A_1371 : vector<256x128xf32>
    %min3A_1390 = arith.minimumf %max3A_1389, %min3A_1373 : vector<256x128xf32>
    %max3A_1391 = arith.maximumf %max3A_1389, %min3A_1373 : vector<256x128xf32>
    %min3A_1392 = arith.minimumf %max3A_1391, %min3A_1375 : vector<256x128xf32>
    %slice3A_1393 = vector.extract_strided_slice %add3A_48 {offsets = [0, 10112], sizes = [256, 128], strides = [1, 1]} : vector<256x10240xf32> to vector<256x128xf32>
    %max3A_1394 = arith.constant 1.000000e-30 : f32
    %max3A_1395 = vector.broadcast %max3A_1394 : f32 to vector<256x128xf32>
    %max3A_1396 = arith.maximumf %slice3A_1393, %max3A_1395 : vector<256x128xf32>
    %bitcast_convert_type3A_1397 = tpu.bitcast %max3A_1396 : vector<256x128xf32> -> vector<256x128xi32>
    %and3A_1398 = arith.constant -128 : i32
    %and3A_1399 = vector.broadcast %and3A_1398 : i32 to vector<256x128xi32>
    %and3A_1400 = arith.andi %bitcast_convert_type3A_1397, %and3A_1399 : vector<256x128xi32>
    %or3A_1401 = arith.constant 79 : i32
    %or3A_1402 = vector.broadcast %or3A_1401 : i32 to vector<256x128xi32>
    %or3A_1403 = arith.ori %and3A_1400, %or3A_1402 : vector<256x128xi32>
    %bitcast_convert_type3A_1404 = tpu.bitcast %or3A_1403 : vector<256x128xi32> -> vector<256x128xf32>
    %min3A_1405 = arith.minimumf %bitcast_convert_type3A_1404, %min3A_1388 : vector<256x128xf32>
    %max3A_1406 = arith.maximumf %bitcast_convert_type3A_1404, %min3A_1388 : vector<256x128xf32>
    %min3A_1407 = arith.minimumf %max3A_1406, %min3A_1390 : vector<256x128xf32>
    %max3A_1408 = arith.maximumf %max3A_1406, %min3A_1390 : vector<256x128xf32>
    %min3A_1409 = arith.minimumf %max3A_1408, %min3A_1392 : vector<256x128xf32>
    %concatenate3A = tpu.concatenate %min3A_1405, %min3A_1407, %min3A_1409 in 1 : vector<256x128xf32>, vector<256x128xf32>, vector<256x128xf32> -> vector<256x384xf32>
    %bitcast_convert_type3A_1410 = tpu.bitcast %min3A_1405 : vector<256x128xf32> -> vector<256x128xi32>
    %and3A_1411 = arith.constant 127 : i32
    %and3A_1412 = vector.broadcast %and3A_1411 : i32 to vector<256x128xi32>
    %and3A_1413 = arith.andi %bitcast_convert_type3A_1410, %and3A_1412 : vector<256x128xi32>
    %mul3A_1414 = arith.constant 128 : i32
    %mul3A_1415 = vector.broadcast %mul3A_1414 : i32 to vector<256x128xi32>
    %mul3A_1416 = arith.muli %and3A_1413, %mul3A_1415 : vector<256x128xi32>
    %add3A_1417 = arith.addi %mul3A_1416, %iota3A_49 : vector<256x128xi32>
    %bitcast_convert_type3A_1418 = tpu.bitcast %min3A_1407 : vector<256x128xf32> -> vector<256x128xi32>
    %and3A_1419 = arith.constant 127 : i32
    %and3A_1420 = vector.broadcast %and3A_1419 : i32 to vector<256x128xi32>
    %and3A_1421 = arith.andi %bitcast_convert_type3A_1418, %and3A_1420 : vector<256x128xi32>
    %mul3A_1422 = arith.constant 128 : i32
    %mul3A_1423 = vector.broadcast %mul3A_1422 : i32 to vector<256x128xi32>
    %mul3A_1424 = arith.muli %and3A_1421, %mul3A_1423 : vector<256x128xi32>
    %add3A_1425 = arith.addi %mul3A_1424, %iota3A_49 : vector<256x128xi32>
    %bitcast_convert_type3A_1426 = tpu.bitcast %min3A_1409 : vector<256x128xf32> -> vector<256x128xi32>
    %and3A_1427 = arith.constant 127 : i32
    %and3A_1428 = vector.broadcast %and3A_1427 : i32 to vector<256x128xi32>
    %and3A_1429 = arith.andi %bitcast_convert_type3A_1426, %and3A_1428 : vector<256x128xi32>
    %mul3A_1430 = arith.constant 128 : i32
    %mul3A_1431 = vector.broadcast %mul3A_1430 : i32 to vector<256x128xi32>
    %mul3A_1432 = arith.muli %and3A_1429, %mul3A_1431 : vector<256x128xi32>
    %add3A_1433 = arith.addi %mul3A_1432, %iota3A_49 : vector<256x128xi32>
    %concatenate3A_1434 = tpu.concatenate %add3A_1417, %add3A_1425, %add3A_1433 in 1 : vector<256x128xi32>, vector<256x128xi32>, vector<256x128xi32> -> vector<256x384xi32>
    %reduce_min3A = arith.constant dense<0x7F800000> : vector<256xf32>
    %reduce_min3A_1435 = vector.multi_reduction <minimumf>, %concatenate3A, %reduce_min3A [1] : vector<256x384xf32> to vector<256xf32>
    %broadcast_in_dim3A_1436 = vector.shape_cast %reduce_min3A_1435 : vector<256xf32> to vector<256x1xf32>
    %eq3A_1437 = vector.broadcast %broadcast_in_dim3A_1436 : vector<256x1xf32> to vector<256x384xf32>
    %eq3A_1438 = arith.cmpf oeq, %concatenate3A, %eq3A_1437 : vector<256x384xf32>
    %jit3A_1439 = arith.constant 10240 : i32
    %broadcast_in_dim3A_1440 = vector.broadcast %jit3A_1439 : i32 to vector<256x384xi32>
    %select_n3A_1441 = arith.select %eq3A_1438, %concatenate3A_1434, %broadcast_in_dim3A_1440 : vector<256x384xi1>, vector<256x384xi32>
    %reduce_min3A_1442 = arith.constant dense<2147483647> : vector<256xi32>
    %reduce_min3A_1443 = vector.multi_reduction <minsi>, %select_n3A_1441, %reduce_min3A_1442 [1] : vector<256x384xi32> to vector<256xi32>
    %broadcast_in_dim3A_1444 = vector.shape_cast %reduce_min3A_1443 : vector<256xi32> to vector<256x1xi32>
    %eq3A_1445 = vector.broadcast %broadcast_in_dim3A_1436 : vector<256x1xf32> to vector<256x384xf32>
    %eq3A_1446 = arith.cmpf oeq, %concatenate3A, %eq3A_1445 : vector<256x384xf32>
    %eq3A_1447 = vector.broadcast %broadcast_in_dim3A_1444 : vector<256x1xi32> to vector<256x384xi32>
    %eq3A_1448 = arith.cmpi eq, %concatenate3A_1434, %eq3A_1447 : vector<256x384xi32>
    %and3A_1449 = arith.andi %eq3A_1446, %eq3A_1448 : vector<256x384xi1>
    %jit3A_1450 = arith.constant 0x7F800000 : f32
    %broadcast_in_dim3A_1451 = vector.broadcast %jit3A_1450 : f32 to vector<256x384xf32>
    %select_n3A_1452 = arith.select %and3A_1449, %broadcast_in_dim3A_1451, %concatenate3A : vector<256x384xi1>, vector<256x384xf32>
    %reduce_min3A_1453 = arith.constant dense<0x7F800000> : vector<256xf32>
    %reduce_min3A_1454 = vector.multi_reduction <minimumf>, %select_n3A_1452, %reduce_min3A_1453 [1] : vector<256x384xf32> to vector<256xf32>
    %broadcast_in_dim3A_1455 = vector.shape_cast %reduce_min3A_1454 : vector<256xf32> to vector<256x1xf32>
    %eq3A_1456 = vector.broadcast %broadcast_in_dim3A_1455 : vector<256x1xf32> to vector<256x384xf32>
    %eq3A_1457 = arith.cmpf oeq, %select_n3A_1452, %eq3A_1456 : vector<256x384xf32>
    %jit3A_1458 = arith.constant 10240 : i32
    %broadcast_in_dim3A_1459 = vector.broadcast %jit3A_1458 : i32 to vector<256x384xi32>
    %select_n3A_1460 = arith.select %eq3A_1457, %concatenate3A_1434, %broadcast_in_dim3A_1459 : vector<256x384xi1>, vector<256x384xi32>
    %reduce_min3A_1461 = arith.constant dense<2147483647> : vector<256xi32>
    %reduce_min3A_1462 = vector.multi_reduction <minsi>, %select_n3A_1460, %reduce_min3A_1461 [1] : vector<256x384xi32> to vector<256xi32>
    %broadcast_in_dim3A_1463 = vector.shape_cast %reduce_min3A_1462 : vector<256xi32> to vector<256x1xi32>
    %eq3A_1464 = vector.broadcast %broadcast_in_dim3A_1455 : vector<256x1xf32> to vector<256x384xf32>
    %eq3A_1465 = arith.cmpf oeq, %select_n3A_1452, %eq3A_1464 : vector<256x384xf32>
    %eq3A_1466 = vector.broadcast %broadcast_in_dim3A_1463 : vector<256x1xi32> to vector<256x384xi32>
    %eq3A_1467 = arith.cmpi eq, %concatenate3A_1434, %eq3A_1466 : vector<256x384xi32>
    %and3A_1468 = arith.andi %eq3A_1465, %eq3A_1467 : vector<256x384xi1>
    %jit3A_1469 = arith.constant 0x7F800000 : f32
    %broadcast_in_dim3A_1470 = vector.broadcast %jit3A_1469 : f32 to vector<256x384xf32>
    %select_n3A_1471 = arith.select %and3A_1468, %broadcast_in_dim3A_1470, %select_n3A_1452 : vector<256x384xi1>, vector<256x384xf32>
    %reduce_min3A_1472 = arith.constant dense<0x7F800000> : vector<256xf32>
    %reduce_min3A_1473 = vector.multi_reduction <minimumf>, %select_n3A_1471, %reduce_min3A_1472 [1] : vector<256x384xf32> to vector<256xf32>
    %broadcast_in_dim3A_1474 = vector.shape_cast %reduce_min3A_1473 : vector<256xf32> to vector<256x1xf32>
    %eq3A_1475 = vector.broadcast %broadcast_in_dim3A_1474 : vector<256x1xf32> to vector<256x384xf32>
    %eq3A_1476 = arith.cmpf oeq, %select_n3A_1471, %eq3A_1475 : vector<256x384xf32>
    %jit3A_1477 = arith.constant 10240 : i32
    %broadcast_in_dim3A_1478 = vector.broadcast %jit3A_1477 : i32 to vector<256x384xi32>
    %select_n3A_1479 = arith.select %eq3A_1476, %concatenate3A_1434, %broadcast_in_dim3A_1478 : vector<256x384xi1>, vector<256x384xi32>
    %reduce_min3A_1480 = arith.constant dense<2147483647> : vector<256xi32>
    %reduce_min3A_1481 = vector.multi_reduction <minsi>, %select_n3A_1479, %reduce_min3A_1480 [1] : vector<256x384xi32> to vector<256xi32>
    %broadcast_in_dim3A_1482 = vector.shape_cast %reduce_min3A_1481 : vector<256xi32> to vector<256x1xi32>
    %eq3A_1483 = vector.broadcast %broadcast_in_dim3A_1474 : vector<256x1xf32> to vector<256x384xf32>
    %eq3A_1484 = arith.cmpf oeq, %select_n3A_1471, %eq3A_1483 : vector<256x384xf32>
    %eq3A_1485 = vector.broadcast %broadcast_in_dim3A_1482 : vector<256x1xi32> to vector<256x384xi32>
    %eq3A_1486 = arith.cmpi eq, %concatenate3A_1434, %eq3A_1485 : vector<256x384xi32>
    %and3A_1487 = arith.andi %eq3A_1484, %eq3A_1486 : vector<256x384xi1>
    %jit3A_1488 = arith.constant 0x7F800000 : f32
    %broadcast_in_dim3A_1489 = vector.broadcast %jit3A_1488 : f32 to vector<256x384xf32>
    %select_n3A_1490 = arith.select %and3A_1487, %broadcast_in_dim3A_1489, %select_n3A_1471 : vector<256x384xi1>, vector<256x384xf32>
    %reduce_min3A_1491 = arith.constant dense<0x7F800000> : vector<256xf32>
    %reduce_min3A_1492 = vector.multi_reduction <minimumf>, %select_n3A_1490, %reduce_min3A_1491 [1] : vector<256x384xf32> to vector<256xf32>
    %broadcast_in_dim3A_1493 = vector.shape_cast %reduce_min3A_1492 : vector<256xf32> to vector<256x1xf32>
    %eq3A_1494 = vector.broadcast %broadcast_in_dim3A_1493 : vector<256x1xf32> to vector<256x384xf32>
    %eq3A_1495 = arith.cmpf oeq, %select_n3A_1490, %eq3A_1494 : vector<256x384xf32>
    %jit3A_1496 = arith.constant 10240 : i32
    %broadcast_in_dim3A_1497 = vector.broadcast %jit3A_1496 : i32 to vector<256x384xi32>
    %select_n3A_1498 = arith.select %eq3A_1495, %concatenate3A_1434, %broadcast_in_dim3A_1497 : vector<256x384xi1>, vector<256x384xi32>
    %reduce_min3A_1499 = arith.constant dense<2147483647> : vector<256xi32>
    %reduce_min3A_1500 = vector.multi_reduction <minsi>, %select_n3A_1498, %reduce_min3A_1499 [1] : vector<256x384xi32> to vector<256xi32>
    %broadcast_in_dim3A_1501 = vector.shape_cast %reduce_min3A_1500 : vector<256xi32> to vector<256x1xi32>
    %eq3A_1502 = vector.broadcast %broadcast_in_dim3A_1493 : vector<256x1xf32> to vector<256x384xf32>
    %eq3A_1503 = arith.cmpf oeq, %select_n3A_1490, %eq3A_1502 : vector<256x384xf32>
    %eq3A_1504 = vector.broadcast %broadcast_in_dim3A_1501 : vector<256x1xi32> to vector<256x384xi32>
    %eq3A_1505 = arith.cmpi eq, %concatenate3A_1434, %eq3A_1504 : vector<256x384xi32>
    %and3A_1506 = arith.andi %eq3A_1503, %eq3A_1505 : vector<256x384xi1>
    %jit3A_1507 = arith.constant 0x7F800000 : f32
    %broadcast_in_dim3A_1508 = vector.broadcast %jit3A_1507 : f32 to vector<256x384xf32>
    %select_n3A_1509 = arith.select %and3A_1506, %broadcast_in_dim3A_1508, %select_n3A_1490 : vector<256x384xi1>, vector<256x384xf32>
    %reduce_min3A_1510 = arith.constant dense<0x7F800000> : vector<256xf32>
    %reduce_min3A_1511 = vector.multi_reduction <minimumf>, %select_n3A_1509, %reduce_min3A_1510 [1] : vector<256x384xf32> to vector<256xf32>
    %broadcast_in_dim3A_1512 = vector.shape_cast %reduce_min3A_1511 : vector<256xf32> to vector<256x1xf32>
    %eq3A_1513 = vector.broadcast %broadcast_in_dim3A_1512 : vector<256x1xf32> to vector<256x384xf32>
    %eq3A_1514 = arith.cmpf oeq, %select_n3A_1509, %eq3A_1513 : vector<256x384xf32>
    %jit3A_1515 = arith.constant 10240 : i32
    %broadcast_in_dim3A_1516 = vector.broadcast %jit3A_1515 : i32 to vector<256x384xi32>
    %select_n3A_1517 = arith.select %eq3A_1514, %concatenate3A_1434, %broadcast_in_dim3A_1516 : vector<256x384xi1>, vector<256x384xi32>
    %reduce_min3A_1518 = arith.constant dense<2147483647> : vector<256xi32>
    %reduce_min3A_1519 = vector.multi_reduction <minsi>, %select_n3A_1517, %reduce_min3A_1518 [1] : vector<256x384xi32> to vector<256xi32>
    %broadcast_in_dim3A_1520 = vector.shape_cast %reduce_min3A_1519 : vector<256xi32> to vector<256x1xi32>
    %eq3A_1521 = vector.broadcast %broadcast_in_dim3A_1512 : vector<256x1xf32> to vector<256x384xf32>
    %eq3A_1522 = arith.cmpf oeq, %select_n3A_1509, %eq3A_1521 : vector<256x384xf32>
    %eq3A_1523 = vector.broadcast %broadcast_in_dim3A_1520 : vector<256x1xi32> to vector<256x384xi32>
    %eq3A_1524 = arith.cmpi eq, %concatenate3A_1434, %eq3A_1523 : vector<256x384xi32>
    %and3A_1525 = arith.andi %eq3A_1522, %eq3A_1524 : vector<256x384xi1>
    %jit3A_1526 = arith.constant 0x7F800000 : f32
    %broadcast_in_dim3A_1527 = vector.broadcast %jit3A_1526 : f32 to vector<256x384xf32>
    %select_n3A_1528 = arith.select %and3A_1525, %broadcast_in_dim3A_1527, %select_n3A_1509 : vector<256x384xi1>, vector<256x384xf32>
    %reduce_min3A_1529 = arith.constant dense<0x7F800000> : vector<256xf32>
    %reduce_min3A_1530 = vector.multi_reduction <minimumf>, %select_n3A_1528, %reduce_min3A_1529 [1] : vector<256x384xf32> to vector<256xf32>
    %broadcast_in_dim3A_1531 = vector.shape_cast %reduce_min3A_1530 : vector<256xf32> to vector<256x1xf32>
    %eq3A_1532 = vector.broadcast %broadcast_in_dim3A_1531 : vector<256x1xf32> to vector<256x384xf32>
    %eq3A_1533 = arith.cmpf oeq, %select_n3A_1528, %eq3A_1532 : vector<256x384xf32>
    %jit3A_1534 = arith.constant 10240 : i32
    %broadcast_in_dim3A_1535 = vector.broadcast %jit3A_1534 : i32 to vector<256x384xi32>
    %select_n3A_1536 = arith.select %eq3A_1533, %concatenate3A_1434, %broadcast_in_dim3A_1535 : vector<256x384xi1>, vector<256x384xi32>
    %reduce_min3A_1537 = arith.constant dense<2147483647> : vector<256xi32>
    %reduce_min3A_1538 = vector.multi_reduction <minsi>, %select_n3A_1536, %reduce_min3A_1537 [1] : vector<256x384xi32> to vector<256xi32>
    %broadcast_in_dim3A_1539 = vector.shape_cast %reduce_min3A_1538 : vector<256xi32> to vector<256x1xi32>
    %eq3A_1540 = vector.broadcast %broadcast_in_dim3A_1531 : vector<256x1xf32> to vector<256x384xf32>
    %eq3A_1541 = arith.cmpf oeq, %select_n3A_1528, %eq3A_1540 : vector<256x384xf32>
    %eq3A_1542 = vector.broadcast %broadcast_in_dim3A_1539 : vector<256x1xi32> to vector<256x384xi32>
    %eq3A_1543 = arith.cmpi eq, %concatenate3A_1434, %eq3A_1542 : vector<256x384xi32>
    %and3A_1544 = arith.andi %eq3A_1541, %eq3A_1543 : vector<256x384xi1>
    %jit3A_1545 = arith.constant 0x7F800000 : f32
    %broadcast_in_dim3A_1546 = vector.broadcast %jit3A_1545 : f32 to vector<256x384xf32>
    %select_n3A_1547 = arith.select %and3A_1544, %broadcast_in_dim3A_1546, %select_n3A_1528 : vector<256x384xi1>, vector<256x384xf32>
    %reduce_min3A_1548 = arith.constant dense<0x7F800000> : vector<256xf32>
    %reduce_min3A_1549 = vector.multi_reduction <minimumf>, %select_n3A_1547, %reduce_min3A_1548 [1] : vector<256x384xf32> to vector<256xf32>
    %broadcast_in_dim3A_1550 = vector.shape_cast %reduce_min3A_1549 : vector<256xf32> to vector<256x1xf32>
    %eq3A_1551 = vector.broadcast %broadcast_in_dim3A_1550 : vector<256x1xf32> to vector<256x384xf32>
    %eq3A_1552 = arith.cmpf oeq, %select_n3A_1547, %eq3A_1551 : vector<256x384xf32>
    %jit3A_1553 = arith.constant 10240 : i32
    %broadcast_in_dim3A_1554 = vector.broadcast %jit3A_1553 : i32 to vector<256x384xi32>
    %select_n3A_1555 = arith.select %eq3A_1552, %concatenate3A_1434, %broadcast_in_dim3A_1554 : vector<256x384xi1>, vector<256x384xi32>
    %reduce_min3A_1556 = arith.constant dense<2147483647> : vector<256xi32>
    %reduce_min3A_1557 = vector.multi_reduction <minsi>, %select_n3A_1555, %reduce_min3A_1556 [1] : vector<256x384xi32> to vector<256xi32>
    %broadcast_in_dim3A_1558 = vector.shape_cast %reduce_min3A_1557 : vector<256xi32> to vector<256x1xi32>
    %eq3A_1559 = vector.broadcast %broadcast_in_dim3A_1550 : vector<256x1xf32> to vector<256x384xf32>
    %eq3A_1560 = arith.cmpf oeq, %select_n3A_1547, %eq3A_1559 : vector<256x384xf32>
    %eq3A_1561 = vector.broadcast %broadcast_in_dim3A_1558 : vector<256x1xi32> to vector<256x384xi32>
    %eq3A_1562 = arith.cmpi eq, %concatenate3A_1434, %eq3A_1561 : vector<256x384xi32>
    %and3A_1563 = arith.andi %eq3A_1560, %eq3A_1562 : vector<256x384xi1>
    %jit3A_1564 = arith.constant 0x7F800000 : f32
    %broadcast_in_dim3A_1565 = vector.broadcast %jit3A_1564 : f32 to vector<256x384xf32>
    %select_n3A_1566 = arith.select %and3A_1563, %broadcast_in_dim3A_1565, %select_n3A_1547 : vector<256x384xi1>, vector<256x384xf32>
    %reduce_min3A_1567 = arith.constant dense<0x7F800000> : vector<256xf32>
    %reduce_min3A_1568 = vector.multi_reduction <minimumf>, %select_n3A_1566, %reduce_min3A_1567 [1] : vector<256x384xf32> to vector<256xf32>
    %broadcast_in_dim3A_1569 = vector.shape_cast %reduce_min3A_1568 : vector<256xf32> to vector<256x1xf32>
    %eq3A_1570 = vector.broadcast %broadcast_in_dim3A_1569 : vector<256x1xf32> to vector<256x384xf32>
    %eq3A_1571 = arith.cmpf oeq, %select_n3A_1566, %eq3A_1570 : vector<256x384xf32>
    %jit3A_1572 = arith.constant 10240 : i32
    %broadcast_in_dim3A_1573 = vector.broadcast %jit3A_1572 : i32 to vector<256x384xi32>
    %select_n3A_1574 = arith.select %eq3A_1571, %concatenate3A_1434, %broadcast_in_dim3A_1573 : vector<256x384xi1>, vector<256x384xi32>
    %reduce_min3A_1575 = arith.constant dense<2147483647> : vector<256xi32>
    %reduce_min3A_1576 = vector.multi_reduction <minsi>, %select_n3A_1574, %reduce_min3A_1575 [1] : vector<256x384xi32> to vector<256xi32>
    %broadcast_in_dim3A_1577 = vector.shape_cast %reduce_min3A_1576 : vector<256xi32> to vector<256x1xi32>
    %concatenate3A_1578 = tpu.concatenate %broadcast_in_dim3A_1444, %broadcast_in_dim3A_1463, %broadcast_in_dim3A_1482, %broadcast_in_dim3A_1501, %broadcast_in_dim3A_1520, %broadcast_in_dim3A_1539, %broadcast_in_dim3A_1558, %broadcast_in_dim3A_1577 in 1 : vector<256x1xi32>, vector<256x1xi32>, vector<256x1xi32>, vector<256x1xi32>, vector<256x1xi32>, vector<256x1xi32>, vector<256x1xi32>, vector<256x1xi32> -> vector<256x8xi32>
    %swap3A = arith.constant 0 : index
    %swap3A_1579 = arith.constant 0 : index
    %swap3A_1580 = vector.load %arg8[%swap3A, %swap3A_1579] : memref<256x8xi32, #tpu.memory_space<vmem>>, vector<256x8xi32>
    tpu.vector_store %arg8[%swap3A, %swap3A_1579], %concatenate3A_1578 {strides = array<i32>} : memref<256x8xi32, #tpu.memory_space<vmem>>, vector<256x8xi32>,
    %get3A_1581 = arith.constant 0 : index
    %get3A_1582 = arith.constant 0 : index
    %get3A_1583 = vector.load %arg1[%get3A_1581, %get3A_1582] : memref<256x128xf32, #tpu.memory_space<vmem>>, vector<256x128xf32>
    %get3A_1584 = arith.constant 0 : index
    %get3A_1585 = arith.constant 0 : index
    %get3A_1586 = vector.load %arg6[%get3A_1584, %get3A_1585] : memref<8x128xf32, #tpu.memory_space<vmem>>, vector<8x128xf32>
    %dot_general3A_1587 = arith.constant dense<0.000000e+00> : vector<256x128xf32>
    %dot_general3A_1588 = tpu.matmul %get3A_1, %get3A_1586, %dot_general3A_1587 {dimension_numbers = #tpu.dot_dimension_numbers<[1], [0], [0], [1], [0, 0, 1, 1], [], []>, transpose_lhs_hint = false} : vector<256x8xf32>, vector<8x128xf32>, vector<256x128xf32> -> vector<256x128xf32>
    %get3A_1589 = arith.constant 0 : index
    %get3A_1590 = arith.constant 0 : index
    %get3A_1591 = vector.load %arg4[%get3A_1589, %get3A_1590] : memref<128x128xf32, #tpu.memory_space<vmem>>, vector<128x128xf32>
    %dot_general3A_1592 = arith.constant dense<0.000000e+00> : vector<256x128xf32>
    %dot_general3A_1593 = tpu.matmul %get3A_1583, %get3A_1591, %dot_general3A_1592 {dimension_numbers = #tpu.dot_dimension_numbers<[1], [0], [0], [1], [0, 0, 1, 1], [], []>, transpose_lhs_hint = false} : vector<256x128xf32>, vector<128x128xf32>, vector<256x128xf32> -> vector<256x128xf32>
    %sub3A = arith.subf %dot_general3A_1593, %dot_general3A_1588 : vector<256x128xf32>
    %get3A_1594 = arith.constant 0 : index
    %get3A_1595 = arith.constant 0 : index
    %get3A_1596 = vector.load %arg7[%get3A_1594, %get3A_1595] : memref<1x128xf32, #tpu.memory_space<vmem>>, vector<1x128xf32>
    %add3A_1597 = vector.broadcast %get3A_1596 : vector<1x128xf32> to vector<256x128xf32>
    %add3A_1598 = arith.addf %sub3A, %add3A_1597 : vector<256x128xf32>
    %swap3A_1599 = arith.constant 0 : index
    %swap3A_1600 = arith.constant 0 : index
    %swap3A_1601 = vector.load %arg9[%swap3A_1599, %swap3A_1600] : memref<256x128xf32, #tpu.memory_space<vmem>>, vector<256x128xf32>
    tpu.vector_store %arg9[%swap3A_1599, %swap3A_1600], %add3A_1598 {strides = array<i32>} : memref<256x128xf32, #tpu.memory_space<vmem>>, vector<256x128xf32>,
    %get3A_1602 = arith.constant 0 : index
    %get3A_1603 = arith.constant 0 : index
    %get3A_1604 = vector.load %arg5[%get3A_1602, %get3A_1603] : memref<128x128xf32, #tpu.memory_space<vmem>>, vector<128x128xf32>
    %dot_general3A_1605 = arith.constant dense<0.000000e+00> : vector<256x128xf32>
    %dot_general3A_1606 = tpu.matmul %get3A_1583, %get3A_1604, %dot_general3A_1605 {dimension_numbers = #tpu.dot_dimension_numbers<[1], [0], [0], [1], [0, 0, 1, 1], [], []>, transpose_lhs_hint = false} : vector<256x128xf32>, vector<128x128xf32>, vector<256x128xf32> -> vector<256x128xf32>
    %add3A_1607 = arith.addf %dot_general3A_1606, %dot_general3A_1588 : vector<256x128xf32>
    %swap3A_1608 = arith.constant 0 : index
    %swap3A_1609 = arith.constant 0 : index
    %swap3A_1610 = vector.load %arg10[%swap3A_1608, %swap3A_1609] : memref<256x128xf32, #tpu.memory_space<vmem>>, vector<256x128xf32>
    tpu.vector_store %arg10[%swap3A_1608, %swap3A_1609], %add3A_1607 {strides = array<i32>} : memref<256x128xf32, #tpu.memory_space<vmem>>, vector<256x128xf32>,
    return
  }
  func.func @transform_0(%arg0: i32) -> (i32, i32) {
    %c0_i32 = arith.constant 0 : i32
    %c0_i32_0 = arith.constant 0 : i32
    return %arg0, %c0_i32 : i32, i32
  }
  func.func @transform_1(%arg0: i32) -> (i32, i32) {
    %c0_i32 = arith.constant 0 : i32
    %c0_i32_0 = arith.constant 0 : i32
    return %arg0, %c0_i32 : i32, i32
  }
  func.func @transform_2(%arg0: i32) -> (i32, i32) {
    %c0_i32 = arith.constant 0 : i32
    %c0_i32_0 = arith.constant 0 : i32
    %c0_i32_1 = arith.constant 0 : i32
    return %c0_i32, %c0_i32_0 : i32, i32
  }
  func.func @transform_3(%arg0: i32) -> (i32, i32) {
    %c0_i32 = arith.constant 0 : i32
    %c0_i32_0 = arith.constant 0 : i32
    %c0_i32_1 = arith.constant 0 : i32
    return %c0_i32, %c0_i32_0 : i32, i32
  }
  func.func @transform_4(%arg0: i32) -> (i32, i32) {
    %c0_i32 = arith.constant 0 : i32
    %c0_i32_0 = arith.constant 0 : i32
    %c0_i32_1 = arith.constant 0 : i32
    return %c0_i32, %c0_i32_0 : i32, i32
  }
  func.func @transform_5(%arg0: i32) -> (i32, i32) {
    %c0_i32 = arith.constant 0 : i32
    %c0_i32_0 = arith.constant 0 : i32
    %c0_i32_1 = arith.constant 0 : i32
    return %c0_i32, %c0_i32_0 : i32, i32
  }
  func.func @transform_6(%arg0: i32) -> (i32, i32) {
    %c0_i32 = arith.constant 0 : i32
    %c0_i32_0 = arith.constant 0 : i32
    %c0_i32_1 = arith.constant 0 : i32
    return %c0_i32, %c0_i32_0 : i32, i32
  }
  func.func @transform_7(%arg0: i32) -> (i32, i32) {
    %c0_i32 = arith.constant 0 : i32
    %c0_i32_0 = arith.constant 0 : i32
    return %arg0, %c0_i32 : i32, i32
  }
  func.func @transform_8(%arg0: i32) -> (i32, i32) {
    %c0_i32 = arith.constant 0 : i32
    %c0_i32_0 = arith.constant 0 : i32
    return %arg0, %c0_i32 : i32, i32
  }
  func.func @transform_9(%arg0: i32) -> (i32, i32) {
    %c0_i32 = arith.constant 0 : i32
    %c0_i32_0 = arith.constant 0 : i32
    return %arg0, %c0_i32 : i32, i32
  }
}

</mosaic_0001>

<sc_bundles>
// kernel: kernel.5.cloned.1.call-start
scs
__scs_entry_jumppad:
0x0: {  	(pc) =	sbr.rel $0x88, $3  }
0x1: {  	(tag) =	ssettag $0x0;
	lr =	simm.s32 $0x1  }
0x2: {  	[smem:$0x3F97] =	sst lr;
	_ =	strace $0xD0000000  }
0x3: {  	_ = 	snop  }
0x4: {  	_ = 	snop  }
0x5: {  	_ = 	snop  }
0x6: {  	_ = 	snop  }
0x7: {  	_ = 	snop  }
__scs_overlays_trampoline_lowered:
0x8: {  	[smem:$0x3FA6] =	sst s0  }
0x9: {  	[smem:$0x3FA7] =	sst s1  }
0xa: {  	[smem:$0x3FA8] =	sst s2  }
0xb: {  	[smem:$0x3FA9] =	sst s3  }
0xc: {  	[smem:$0x3FAA] =	sst s4  }
0xd: {  	[smem:$0x3FAB] =	sst s5  }
0xe: {  	[smem:$0x3FAC] =	sst s6  }
0xf: {  	[smem:$0x3FAD] =	sst s7  }
0x10: {  	[smem:$0x3FAE] =	sst s8  }
0x11: {  	[smem:$0x3FAF] =	sst s9;
	s0 =	simm.s32 @!p0 $0x0  }
0x12: {  	s1 =	sld [smem:$0x3F95];
	s0 =	simm.s32 @p0 $0x1  }
0x13: {  	[smem:$0x3FB0] =	sst s0;
	s0 =	simm.s32 @!p1 $0x0  }
0x14: {  	s2 =	sld [smem:$0x3F94];
	s0 =	simm.s32 @p1 $0x1  }
0x15: {  	[smem:$0x3FB1] =	sst s0;
	s0 =	simm.s32 @!p2 $0x0  }
0x16: {  	s3 =	sld [smem:$0x3FDB];
	s0 =	simm.s32 @p2 $0x1  }
0x17: {  	s4 =	simm.s32 $0x1BF5;
	[smem:$0x3FB3] =	sst s0  }
0x18: {  	s0 =	sld [smem:$0x3F96];
	_ =	swait.ge [sflag:s4], $0x0  }
0x19: {  	s7 =	sld [smem:$0x3F97]  }
0x1a: {  	s8 =	sadd.s32 $0xFFFFE003, lr  }
0x1b: {  	s9 =	sadd.s32 $0xFFFFFEF7, lr;
	s5 =	simm.s32 $0xFFFFFFFF;
	p2 =	slt.u32 s8, $0xFFFFF086  }
0x1c: {  	p1 =	slt.u32 s9, $0xF7A;
	s5 =	simm.s32 @!p2 $0x0  }
0x1d: {  	s5 =	simm.s32 @p1 $0x1;
	p0 =	seq.s32 s7, s2  }
0x1e: {  	s7 =	smul.u32 @!p0 $0xF7A, s2;
	p2 =	seq.s32 @!p0 s5, $0x0  }
0x1f: {  	s9 =	smul.u32 $0xF7A, s1;
	s8 =	simm.s32 @!p0 $0x1BF5;
	p2 =	por !p2, p0  }
0x20: {  	[sflag:s8] =	ssyncset.s32 @!p0 $0xFFFFF086;
	s6 =	sadd.s32 @!p0 s3, s7;
	s7 =	simm.s32 @!p0 $0x108  }
0x21: {  	s3 =	sadd.s32 s3, s9;
	s6 =	sadd.s32 @!p0 $0x88, s6;
	s7 =	simm.s32 @p2 $0x1082  }
0x22: {  	[simem:s7], [sflag:s8] =	dma.local @!p0 [hbm:s6], $0xF7A  }
0x23: {  	s9 =	sor.u32 $0xD0000000, s2;
	s6 =	simm.s32 $0x108;
	_ =	swait.ge @!p0 [sflag:s8], $0x0  }
0x24: {  	s3 =	sadd.s32 $0x88, s3;
	s6 =	simm.s32 @!p1 $0x1082;
	[sflag:s4] =	ssyncset.s32 $0xFFFFF086  }
0x25: {  	[simem:s6], [sflag:s4] =	dma.local [hbm:s3], $0xF7A  }
0x26: {  	[smem:$0x3F97] =	sst s1;
	(tag) =	ssettag s2;
	_ =	strace s9  }
0x27: {  	s1 =	sld [smem:$0x3FA7]  }
0x28: {  	s2 =	sld [smem:$0x3FA8]  }
0x29: {  	s4 =	sld [smem:$0x3FAA]  }
0x2a: {  	p0 =	seq.s32 s5, $0x0;
	s5 =	sld [smem:$0x3FAB]  }
0x2b: {  	s6 =	sld [smem:$0x3FAC]  }
0x2c: {  	s7 =	sld [smem:$0x3FAD]  }
0x2d: {  	s3 =	simm.s32 $0x108;
	s8 =	sld [smem:$0x3FAE]  }
0x2e: {  	s3 =	simm.s32 @!p0 $0x1082;
	s9 =	sld [smem:$0x3FAF]  }
0x2f: {  	lr =	sadd.s32 s0, s3;
	s0 =	sld [smem:$0x3FA6]  }
0x30: {  	s3 =	sld [smem:$0x3FA9]  }
0x31: {  	[smem:$0x3FB2] =	sst s10  }
0x32: {  	s10 =	sld [smem:$0x3FB0];
	_ =	sdelay $0x3  }
0x33: {  	p0 =	seq.s32 s10, $0x1;
	s10 =	sld [smem:$0x3FB2];
	_ =	sdelay $0x3  }
0x34: {  	[smem:$0x3FB2] =	sst s10  }
0x35: {  	s10 =	sld [smem:$0x3FB1];
	_ =	sdelay $0x3  }
0x36: {  	p1 =	seq.s32 s10, $0x1;
	s10 =	sld [smem:$0x3FB2];
	_ =	sdelay $0x3  }
0x37: {  	[smem:$0x3FB2] =	sst s10  }
0x38: {  	s10 =	sld [smem:$0x3FB3]  }
0x39: {  	_ = 	snop;
	(pc) =	sbr.ind lr, $3  }
0x3a: {  	_ = 	snop  }
0x3b: {  	_ = 	snop  }
0x3c: {  	p2 =	seq.s32 s10, $0x1;
	s10 =	sld [smem:$0x3FB2]  }
0x3d: {  	_ =	shalt  }
0x3e: {  	_ =	shalt  }
0x3f: {  	_ =	shalt  }
0x40: {  	_ =	shalt  }
0x41: {  	_ =	shalt  }
0x42: {  	_ =	shalt  }
0x43: {  	_ =	shalt  }
0x44: {  	_ =	shalt  }
0x45: {  	_ =	shalt  }
0x46: {  	_ =	shalt  }
0x47: {  	_ =	shalt  }
0x48: {  	_ =	shalt  }
0x49: {  	_ =	shalt  }
0x4a: {  	_ =	shalt  }
0x4b: {  	_ =	shalt  }
0x4c: {  	_ =	shalt  }
0x4d: {  	_ =	shalt  }
0x4e: {  	_ =	shalt  }
0x4f: {  	_ =	shalt  }
0x50: {  	_ =	shalt  }
0x51: {  	_ =	shalt  }
0x52: {  	_ =	shalt  }
0x53: {  	_ =	shalt  }
0x54: {  	_ =	shalt  }
0x55: {  	_ =	shalt  }
0x56: {  	_ =	shalt  }
0x57: {  	_ =	shalt  }
0x58: {  	_ =	shalt  }
0x59: {  	_ =	shalt  }
0x5a: {  	_ =	shalt  }
0x5b: {  	_ =	shalt  }
0x5c: {  	_ =	shalt  }
0x5d: {  	_ =	shalt  }
0x5e: {  	_ =	shalt  }
0x5f: {  	_ =	shalt  }
0x60: {  	_ =	shalt  }
0x61: {  	_ =	shalt  }
0x62: {  	_ =	shalt  }
0x63: {  	_ =	shalt  }
0x64: {  	_ =	shalt  }
0x65: {  	_ =	shalt  }
0x66: {  	_ =	shalt  }
0x67: {  	_ =	shalt  }
0x68: {  	_ =	shalt  }
0x69: {  	_ =	shalt  }
0x6a: {  	_ =	shalt  }
0x6b: {  	_ =	shalt  }
0x6c: {  	_ =	shalt  }
0x6d: {  	_ =	shalt  }
0x6e: {  	_ =	shalt  }
0x6f: {  	_ =	shalt  }
0x70: {  	_ =	shalt  }
0x71: {  	_ =	shalt  }
0x72: {  	_ =	shalt  }
0x73: {  	_ =	shalt  }
0x74: {  	_ =	shalt  }
0x75: {  	_ =	shalt  }
0x76: {  	_ =	shalt  }
0x77: {  	_ =	shalt  }
0x78: {  	_ =	shalt  }
0x79: {  	_ =	shalt  }
0x7a: {  	_ =	shalt  }
0x7b: {  	_ =	shalt  }
0x7c: {  	_ =	shalt  }
0x7d: {  	_ =	shalt  }
0x7e: {  	_ =	shalt  }
0x7f: {  	_ =	shalt  }
0x80: {  	_ =	shalt  }
0x81: {  	_ =	shalt  }
0x82: {  	_ =	shalt  }
0x83: {  	_ =	shalt  }
0x84: {  	_ =	shalt  }
0x85: {  	_ =	shalt  }
0x86: {  	_ =	shalt  }
0x87: {  	_ =	shalt  }
.Lfunc_end0:
.L_simem_size_0:
called_computation_lowered:
.L_overlay_start_0:
0x88: {  	s2 =	sld [smem:$0x3FD9]  }
0x89: {  	s3 =	sld [smem:$0x3FFE];
	_ =	sdelay $0x1  }
0x8a: {  	s1 =	srdreg.scid  }
0x8b: {  	s0 =	sand.u32 $0x1, s1  }
0x8c: {  	s17 =	sshll.u32 s0, $0xA;
	s2 =	sadd.s32 s3, s2  }
0x8d: {  	s2 =	sadd.s32 s2, s17  }
0x8e: {  	[smem:$0x3FBE] =	sst s2  }
0x8f: {  	_ = 	snop  }
0x90: {  	s2 =	sld [smem:$0x3FD0];
	(tm) =	ssettm $0x1  }
0x91: {  	s18 =	sld [smem:$0x3FFB];
	_ =	sdelay $0x3  }
0x92: {  	_ =	strace s18  }
0x93: {  	s3 =	sld [smem:$0x3FFC];
	_ =	sdelay $0x3  }
0x94: {  	_ =	strace s3  }
0x95: {  	s3 =	sld [smem:$0x3FFD];
	_ =	sdelay $0x3  }
0x96: {  	_ =	strace s3  }
0x97: {  	_ =	strace $0x8FFFFFFF  }
0x98: {  	s19 =	sld [smem:$0x3FDB];
	_ =	sdelay $0x1  }
0x99: {  	s4 =	simm.s32 $_scs_section_size  }
0x9a: {  	s5 =	simm.s32 $_size__tile_overlayer_lowered;
	s6 =	simm.s32 $_tile_overlayer_lowered  }
0x9b: {  	s22 =	simm.s32 $0x1BFF;
	s21 =	sshll.u32 s6, $0x1;
	s3 =	sadd.s32 s4, s19  }
0x9c: {  	s7 =	simm.s32 $0x0;
	s20 =	sshll.u32 s5, $0x1;
	s5 =	sadd.s32 s21, s3  }
0x9d: {  	[timem:s7], [sflag:s22] =	dma.local [hbm:s5], s20  }
0x9e: {  	_ =	swait.ge [sflag:s22], s20  }
0x9f: {  	s4 =	ssub.s32 $0x0, s20;
	[sflag:s22] =	ssyncset.done $0x0  }
0xa0: {  	[sflag:s22] =	ssyncadd.s32 s4;
	_ =	sdelay $0x1  }
0xa1: {  	s23 =	simm.s32 $0x1B8B  }
0xa2: {  	_ =	swait.ge [sflag:s23], $0x1  }
0xa3: {  	[sflag:s23] =	ssyncset.done $0x0  }
0xa4: {  	s25 =	simm.s32 $0x1B8E;
	s24 =	sld [smem:$0x3FFE];
	[sflag:s23] =	ssyncadd.s32 $0xFFFFFFFF  }
0xa5: {  	s26 =	simm.s32 $execute0_lowered;
	[smem:$0x3FD2] =	sst s25  }
0xa6: {  	s5 =	sshll.u32 s26, $0x1;
	_ =	strace $0x80000046;
	[dreg:$0x1] =	wrdreg $0xFFFFFFFF  }
0xa7: {  	s28 =	simm.s32 $_size_execute0_lowered;
	s3 =	sadd.s32 s3, s5;
	[dreg:$0x0] =	wrdreg $0x0  }
0xa8: {  	s5 =	sshll.u32 s28, $0x1;
	[dreg:$0x2] =	wrdreg s3  }
0xa9: {  	[dreg:$0x3] =	wrdreg s5  }
0xaa: {  	[dreg:$0x4] =	wrdreg $0xC0  }
0xab: {  	_ =	task [dreg:s7], $0x5FFFF  }
0xac: {  	[dreg:$0x1] =	wrdreg $0xFFFFFFFF  }
0xad: {  	[dreg:$0x0] =	wrdreg $0x60  }
0xae: {  	[dreg:$0x2] =	wrdreg s24  }
0xaf: {  	[dreg:$0x3] =	wrdreg s2  }
0xb0: {  	[dreg:$0x4] =	wrdreg $0x9  }
0xb1: {  	_ =	task.clear_ibuf [dreg:s7], $0x5FFFF;
	_ =	strace $0x90000046  }
0xb2: {  	s29 =	simm.s32 $0x9;
	_ =	strace $0x80000048  }
0xb3: {  	_ =	swait.ge [sflag:s29], $0x1  }
0xb4: {  	[sflag:s29] =	ssyncadd.s32 $0xFFFFFFFF  }
0xb5: {  	_ =	strace $0x90000048  }
0xb6: {  	_ =	sfence  }
0xb7: {  	s30 =	sld [smem:$0x0];
	_ =	sdelay $0x2  }
0xb8: {  	s31 =	sshll.u32 s1, $0xD;
	s1 =	sshrl.u32 s1, $0x2  }
0xb9: {  	s3 =	sand.u32 $0x4000, s31;
	s1 =	sadd.s32 s1, s30  }
0xba: {  	s0 =	sor.u32 s3, s0;
	s1 =	sshll.u32 s1, $0x11  }
0xbb: {  	s0 =	sor.u32 s1, s0  }
0xbc: {  	s0 =	sadd.s32 $0x8F2B, s0  }
0xbd: {  	[sflag:s0] =	ssyncadd.remote.s32 $0x1  }
0xbe: {  	_ =	sfence.sel $0xFFFF  }
0xbf: {  	[dreg:$0x0] =	wrdreg $0xFFFFFFFF;
	(pc) =	sbr.abs _section_cstart, $3  }
0xc0: {  	[dreg:$0x1] =	wrdreg $0xFFFFFFFF  }
0xc1: {  	_ =	task.clear_ibuf [dreg:s7], $0x2FFFF;
	_ =	strace $0x9FFFFFFF  }
0xc2: {  	(tm) =	ssettm $0x7FFFFFFF  }
0xc3: {  	_ =	shalt  }
tec
execute0_lowered:
.L_overlay_start_1:
0x0: {  	(tag) =	ssettag $0x1  }
0x1: {  	s1 =	srdreg.scid;
	s0 =	stileid.u32  }
0x2: {  	s16 =	sand.u32 $0x1, s1;
	s26 =	sshll.u32 s0, $0x1  }
0x3: {  	s8 =	rddreg [dreg:$0x0];
	s9 =	sor.u32 s16, s26  }
0x4: {  	s15 =	rddreg [dreg:$0x1];
	s17 =	smul.u32 $0xA00, s9  }
0x5: {  	s2 =	simm.s32 $0x0;
	s1 =	rddreg [dreg:$0x2]  }
0x6: {  	[smem:$0x7FF] =	sst s2;
	s3 =	sshrl.u32 s17, $0x3  }
0x7: {  	_ =	strace $0x80000047;
	s4 =	sadd.s32 s15, s3;
	s3 =	simm.s32 $0x2  }
0x8: {  	[tilespmem:s2], [sflag:$0x2] =	stream.linear.gather [hbm4b:s4+s2], $0x200, $0x38;
	[tilespmem:$0x10200] =	vst v63  }
0x9: {  	_ =	swait.ge [sflag:s3], $0x200  }
0xa: {  	s6 =	simm.s32 $0x200;
	[sflag:s3] =	ssyncset.done $0x0  }
0xb: {  	s7 =	simm.s32 $0x1;
	s5 =	sadd.s32 $0x2400, s8;
	[sflag:s3] =	ssyncadd.s32 $0xFFFFFE00  }
0xc: {  	[tilespmem:s6], [sflag:$0x1] =	stream.indirect.gather [hbm4b:s5+s6], $0x80, s2, s6, $0xb8;
	[tilespmem:$0x10200] =	vst v63  }
0xd: {  	s9 =	smul.u32 $0xA000, s9;
	_ =	swait.ge [sflag:s7], $0x10000  }
0xe: {  	s18 =	sadd.s32 $0x2A400, s8;
	[sflag:s7] =	ssyncset.done $0x0  }
0xf: {  	s8 =	sadd.s32 s18, s9;
	[sflag:s7] =	ssyncadd.s32 $0xFFFF0000  }
0x10: {  	[hbm4b:s8+s2] =	stream.linear.scatter [tilespmem:s6], [sflag:$0x2], $0x10000, $0x38;
	[tilespmem:$0x10200] =	vst v63  }
0x11: {  	s10 =	sadd.s32 $0x200, s17;
	_ =	swait.ge [sflag:s3], $0x10000  }
0x12: {  	s28 =	sshrl.u32 s10, $0x3;
	[sflag:s3] =	ssyncset.done $0x0  }
0x13: {  	s9 =	sadd.s32 s15, s28;
	[sflag:s3] =	ssyncadd.s32 $0xFFFF0000  }
0x14: {  	[tilespmem:s2], [sflag:$0x2] =	stream.linear.gather [hbm4b:s9+s2], $0x200, $0x38;
	[tilespmem:$0x10200] =	vst v63  }
0x15: {  	_ =	swait.ge [sflag:s3], $0x200  }
0x16: {  	[sflag:s3] =	ssyncset.done $0x0  }
0x17: {  	[sflag:s3] =	ssyncadd.s32 $0xFFFFFE00  }
0x18: {  	[tilespmem:s6], [sflag:$0x1] =	stream.indirect.gather [hbm4b:s5+s6], $0x80, s2, s6, $0xb8;
	[tilespmem:$0x10200] =	vst v63  }
0x19: {  	_ =	swait.ge [sflag:s7], $0x10000  }
0x1a: {  	s10 =	sshll.u32 s10, $0x4;
	[sflag:s7] =	ssyncset.done $0x0  }
0x1b: {  	s10 =	sadd.s32 s18, s10;
	[sflag:s7] =	ssyncadd.s32 $0xFFFF0000  }
0x1c: {  	[hbm4b:s10+s2] =	stream.linear.scatter [tilespmem:s6], [sflag:$0x2], $0x10000, $0x38;
	[tilespmem:$0x10200] =	vst v63  }
0x1d: {  	s12 =	sadd.s32 $0x400, s17;
	_ =	swait.ge [sflag:s3], $0x10000  }
0x1e: {  	s11 =	sshrl.u32 s12, $0x3;
	[sflag:s3] =	ssyncset.done $0x0  }
0x1f: {  	s11 =	sadd.s32 s15, s11;
	[sflag:s3] =	ssyncadd.s32 $0xFFFF0000  }
0x20: {  	[tilespmem:s2], [sflag:$0x2] =	stream.linear.gather [hbm4b:s11+s2], $0x200, $0x38;
	[tilespmem:$0x10200] =	vst v63  }
0x21: {  	_ =	swait.ge [sflag:s3], $0x200  }
0x22: {  	[sflag:s3] =	ssyncset.done $0x0  }
0x23: {  	[sflag:s3] =	ssyncadd.s32 $0xFFFFFE00  }
0x24: {  	[tilespmem:s6], [sflag:$0x1] =	stream.indirect.gather [hbm4b:s5+s6], $0x80, s2, s6, $0xb8;
	[tilespmem:$0x10200] =	vst v63  }
0x25: {  	_ =	swait.ge [sflag:s7], $0x10000  }
0x26: {  	s12 =	sshll.u32 s12, $0x4;
	[sflag:s7] =	ssyncset.done $0x0  }
0x27: {  	s12 =	sadd.s32 s18, s12;
	[sflag:s7] =	ssyncadd.s32 $0xFFFF0000  }
0x28: {  	[hbm4b:s12+s2] =	stream.linear.scatter [tilespmem:s6], [sflag:$0x2], $0x10000, $0x38;
	[tilespmem:$0x10200] =	vst v63  }
0x29: {  	s14 =	sadd.s32 $0x600, s17;
	_ =	swait.ge [sflag:s3], $0x10000  }
0x2a: {  	s13 =	sshrl.u32 s14, $0x3;
	[sflag:s3] =	ssyncset.done $0x0  }
0x2b: {  	s13 =	sadd.s32 s15, s13;
	[sflag:s3] =	ssyncadd.s32 $0xFFFF0000  }
0x2c: {  	[tilespmem:s2], [sflag:$0x2] =	stream.linear.gather [hbm4b:s13+s2], $0x200, $0x38;
	[tilespmem:$0x10200] =	vst v63  }
0x2d: {  	_ =	swait.ge [sflag:s3], $0x200  }
0x2e: {  	[sflag:s3] =	ssyncset.done $0x0  }
0x2f: {  	[sflag:s3] =	ssyncadd.s32 $0xFFFFFE00  }
0x30: {  	[tilespmem:s6], [sflag:$0x1] =	stream.indirect.gather [hbm4b:s5+s6], $0x80, s2, s6, $0xb8;
	[tilespmem:$0x10200] =	vst v63  }
0x31: {  	_ =	swait.ge [sflag:s7], $0x10000  }
0x32: {  	s14 =	sshll.u32 s14, $0x4;
	[sflag:s7] =	ssyncset.done $0x0  }
0x33: {  	s14 =	sadd.s32 s18, s14;
	[sflag:s7] =	ssyncadd.s32 $0xFFFF0000  }
0x34: {  	[hbm4b:s14+s2] =	stream.linear.scatter [tilespmem:s6], [sflag:$0x2], $0x10000, $0x38;
	[tilespmem:$0x10200] =	vst v63  }
0x35: {  	s17 =	sadd.s32 $0x800, s17;
	_ =	swait.ge [sflag:s3], $0x10000  }
0x36: {  	s19 =	sshrl.u32 s17, $0x3;
	[sflag:s3] =	ssyncset.done $0x0  }
0x37: {  	s16 =	ssub.s32 $0x2, s16;
	s15 =	sadd.s32 s15, s19;
	[sflag:s3] =	ssyncadd.s32 $0xFFFF0000  }
0x38: {  	[tilespmem:s2], [sflag:$0x2] =	stream.linear.gather [hbm4b:s15+s2], $0x200, $0x38;
	[tilespmem:$0x10200] =	vst v63  }
0x39: {  	s29 =	sshrl.u32 s16, $0x1;
	_ =	swait.ge [sflag:s3], $0x200  }
0x3a: {  	s19 =	ssub.s32 s16, s29;
	[sflag:s3] =	ssyncset.done $0x0  }
0x3b: {  	s31 =	smax.u32 s19, $0x1;
	[sflag:s3] =	ssyncadd.s32 $0xFFFFFE00  }
0x3c: {  	[tilespmem:s6], [sflag:$0x1] =	stream.indirect.gather [hbm4b:s5+s6], $0x80, s2, s6, $0xb8;
	[tilespmem:$0x10200] =	vst v63  }
0x3d: {  	p0 =	sne.s32 s31, $0x1;
	_ =	swait.ge [sflag:s7], $0x10000  }
.Ltmp0:
0x3e: {  	s30 =	sshll.u32 s17, $0x4;
	[sflag:s7] =	ssyncset.done $0x0;
	(pc) =	sbr.rel @!p0 .LBB2_2-.Ltmp0, $4  }
0x3f: {  	s16 =	sadd.s32 s18, s30;
	[sflag:s7] =	ssyncadd.s32 $0xFFFF0000  }
0x40: {  	[hbm4b:s16+s2] =	stream.linear.scatter [tilespmem:s6], [sflag:$0x2], $0x10000, $0x38;
	[tilespmem:$0x10200] =	vst v63  }
0x41: {  	_ =	swait.ge [sflag:s3], $0x10000  }
0x42: {  	s17 =	sadd.s32 $0xFFFFFFFF, s31;
	[sflag:s3] =	ssyncset.done $0x0  }
.LBB2_1:
0x43: {  	p0 =	sne.s32 s17, $0x1;
	s17 =	sadd.s32 $0xFFFFFFFF, s17;
	[sflag:s3] =	ssyncadd.s32 $0xFFFF0000  }
0x44: {  	[tilespmem:s2], [sflag:$0x2] =	stream.linear.gather [hbm4b:s4+s2], $0x200, $0x38;
	[tilespmem:$0x10200] =	vst v63  }
0x45: {  	_ =	swait.ge [sflag:s3], $0x200  }
0x46: {  	[sflag:s3] =	ssyncset.done $0x0  }
0x47: {  	[sflag:s3] =	ssyncadd.s32 $0xFFFFFE00  }
0x48: {  	[tilespmem:s6], [sflag:$0x1] =	stream.indirect.gather [hbm4b:s5+s6], $0x80, s2, s6, $0xb8;
	[tilespmem:$0x10200] =	vst v63  }
0x49: {  	_ =	swait.ge [sflag:s7], $0x10000  }
0x4a: {  	[sflag:s7] =	ssyncset.done $0x0  }
0x4b: {  	[sflag:s7] =	ssyncadd.s32 $0xFFFF0000  }
0x4c: {  	[hbm4b:s8+s2] =	stream.linear.scatter [tilespmem:s6], [sflag:$0x2], $0x10000, $0x38;
	[tilespmem:$0x10200] =	vst v63  }
0x4d: {  	_ =	swait.ge [sflag:s3], $0x10000  }
0x4e: {  	[sflag:s3] =	ssyncset.done $0x0  }
0x4f: {  	[sflag:s3] =	ssyncadd.s32 $0xFFFF0000  }
0x50: {  	[tilespmem:s2], [sflag:$0x2] =	stream.linear.gather [hbm4b:s9+s2], $0x200, $0x38;
	[tilespmem:$0x10200] =	vst v63  }
0x51: {  	_ =	swait.ge [sflag:s3], $0x200  }
0x52: {  	[sflag:s3] =	ssyncset.done $0x0  }
0x53: {  	[sflag:s3] =	ssyncadd.s32 $0xFFFFFE00  }
0x54: {  	[tilespmem:s6], [sflag:$0x1] =	stream.indirect.gather [hbm4b:s5+s6], $0x80, s2, s6, $0xb8;
	[tilespmem:$0x10200] =	vst v63  }
0x55: {  	_ =	swait.ge [sflag:s7], $0x10000  }
0x56: {  	[sflag:s7] =	ssyncset.done $0x0  }
0x57: {  	[sflag:s7] =	ssyncadd.s32 $0xFFFF0000  }
0x58: {  	[hbm4b:s10+s2] =	stream.linear.scatter [tilespmem:s6], [sflag:$0x2], $0x10000, $0x38;
	[tilespmem:$0x10200] =	vst v63  }
0x59: {  	_ =	swait.ge [sflag:s3], $0x10000  }
0x5a: {  	[sflag:s3] =	ssyncset.done $0x0  }
0x5b: {  	[sflag:s3] =	ssyncadd.s32 $0xFFFF0000  }
0x5c: {  	[tilespmem:s2], [sflag:$0x2] =	stream.linear.gather [hbm4b:s11+s2], $0x200, $0x38;
	[tilespmem:$0x10200] =	vst v63  }
0x5d: {  	_ =	swait.ge [sflag:s3], $0x200  }
0x5e: {  	[sflag:s3] =	ssyncset.done $0x0  }
0x5f: {  	[sflag:s3] =	ssyncadd.s32 $0xFFFFFE00  }
0x60: {  	[tilespmem:s6], [sflag:$0x1] =	stream.indirect.gather [hbm4b:s5+s6], $0x80, s2, s6, $0xb8;
	[tilespmem:$0x10200] =	vst v63  }
0x61: {  	_ =	swait.ge [sflag:s7], $0x10000  }
0x62: {  	[sflag:s7] =	ssyncset.done $0x0  }
0x63: {  	[sflag:s7] =	ssyncadd.s32 $0xFFFF0000  }
0x64: {  	[hbm4b:s12+s2] =	stream.linear.scatter [tilespmem:s6], [sflag:$0x2], $0x10000, $0x38;
	[tilespmem:$0x10200] =	vst v63  }
0x65: {  	_ =	swait.ge [sflag:s3], $0x10000  }
0x66: {  	[sflag:s3] =	ssyncset.done $0x0  }
0x67: {  	[sflag:s3] =	ssyncadd.s32 $0xFFFF0000  }
0x68: {  	[tilespmem:s2], [sflag:$0x2] =	stream.linear.gather [hbm4b:s13+s2], $0x200, $0x38;
	[tilespmem:$0x10200] =	vst v63  }
0x69: {  	_ =	swait.ge [sflag:s3], $0x200  }
0x6a: {  	[sflag:s3] =	ssyncset.done $0x0  }
0x6b: {  	[sflag:s3] =	ssyncadd.s32 $0xFFFFFE00  }
0x6c: {  	[tilespmem:s6], [sflag:$0x1] =	stream.indirect.gather [hbm4b:s5+s6], $0x80, s2, s6, $0xb8;
	[tilespmem:$0x10200] =	vst v63  }
0x6d: {  	_ =	swait.ge [sflag:s7], $0x10000  }
0x6e: {  	[sflag:s7] =	ssyncset.done $0x0  }
0x6f: {  	[sflag:s7] =	ssyncadd.s32 $0xFFFF0000  }
0x70: {  	[hbm4b:s14+s2] =	stream.linear.scatter [tilespmem:s6], [sflag:$0x2], $0x10000, $0x38;
	[tilespmem:$0x10200] =	vst v63  }
0x71: {  	_ =	swait.ge [sflag:s3], $0x10000  }
0x72: {  	[sflag:s3] =	ssyncset.done $0x0  }
0x73: {  	[sflag:s3] =	ssyncadd.s32 $0xFFFF0000  }
0x74: {  	[tilespmem:s2], [sflag:$0x2] =	stream.linear.gather [hbm4b:s15+s2], $0x200, $0x38;
	[tilespmem:$0x10200] =	vst v63  }
0x75: {  	_ =	swait.ge [sflag:s3], $0x200  }
0x76: {  	[sflag:s3] =	ssyncset.done $0x0  }
0x77: {  	[sflag:s3] =	ssyncadd.s32 $0xFFFFFE00  }
0x78: {  	[tilespmem:s6], [sflag:$0x1] =	stream.indirect.gather [hbm4b:s5+s6], $0x80, s2, s6, $0xb8;
	[tilespmem:$0x10200] =	vst v63  }
0x79: {  	_ =	swait.ge [sflag:s7], $0x10000  }
.Ltmp1:
0x7a: {  	[sflag:s7] =	ssyncset.done $0x0;
	(pc) =	sbr.rel @p0 .LBB2_1-.Ltmp1, $4  }
0x7b: {  	[sflag:s7] =	ssyncadd.s32 $0xFFFF0000  }
0x7c: {  	[hbm4b:s16+s2] =	stream.linear.scatter [tilespmem:s6], [sflag:$0x2], $0x10000, $0x38;
	[tilespmem:$0x10200] =	vst v63  }
0x7d: {  	_ =	swait.ge [sflag:s3], $0x10000  }
0x7e: {  	[sflag:s3] =	ssyncset.done $0x0  }
.LBB2_2:
0x7f: {  	[sflag:s3] =	ssyncadd.s32 $0xFFFF0000  }
0x80: {  	_ =	sfence.sel $0x180000  }
0x81: {  	[bflag:$0x0] =	sbarrier.arrive $0xFFFF  }
0x82: {  	p0 =	sne.s32 s0, $0x0;
	_ =	strace $0x90000047  }
0x83: {  	s0 =	sadd.s32 @!p0 $0x100000, s1;
	[bflag:$0x2] =	sbarrier.arrive $0xFFFF  }
0x84: {  	[sflag:s0] =	ssyncadd.tile.s32 @!p0 $0x1;
	_ =	shalt  }
.Lfunc_end2:
_tile_overlayer_lowered:
.L_overlay_start_2:
0x85: {  	(tag) =	ssettag $0x2  }
0x86: {  	s0 =	rddreg [dreg:$0x0];
	s2 =	stileid.u32  }
0x87: {  	s1 =	rddreg [dreg:$0x1];
	p0 =	sne.s32 s2, $0x0  }
0x88: {  	s3 =	rddreg [dreg:$0x2];
	[bflag:$0x3] =	sbarrier.arrive $0xFFFF;
	s2 =	simm.s32 @!p0 $0x1C02  }
0x89: {  	[timem:s3], [sflag:s2] =	dma.local @!p0 [hbm:s0], s1  }
0x8a: {  	s0 =	simm.s32 @!p0 $0x2  }
0x8b: {  	_ =	swait.ge @!p0 [sflag:s0], s1  }
0x8c: {  	s1 =	ssub.s32 @!p0 $0x0, s1;
	[sflag:s0] =	ssyncset.done @!p0 $0x0  }
0x8d: {  	[sflag:s0] =	ssyncadd.s32 @!p0 s1  }
0x8e: {  	[bflag:$0x3] =	sbarrier.arrive $0xFFFF  }
0x8f: {  	_ =	shalt  }

</sc_bundles>
